<compile_context>
chip_gen: v7x
topology: tpu7x:2x2x1
jax: 0.10.2.dev20260603
libtpu: 0.0.44.dev20260713+nightly
codegen_flags: <defaults>
</compile_context>

<pallas_src>
import functools

import jax
import jax.numpy as jnp
from jax import lax
from jax.experimental import pallas as pl
from jax.experimental.pallas import tpu as pltpu
from jax.experimental.pallas import tpu_sc as plsc

NUM_BINS_TOTAL = 4096
LANES = 16
REP_STRIDE = NUM_BINS_TOTAL + 1
REP_WORDS = LANES * REP_STRIDE


def _quantize(r, g, b):
    rq = (r * 15.0).astype(jnp.int32)
    gq = (g * 15.0).astype(jnp.int32)
    bq = (b * 15.0).astype(jnp.int32)
    return rq * 256 + gq * 16 + bq


def _make_sc_kernel(n_src, n_tgt):
    info = plsc.get_sparse_core_info()
    nc, ns = info.num_cores, info.num_subcores
    nw = nc * ns
    src_w = n_src // nw
    tgt_w = n_tgt // nw
    src_rows = src_w // 128
    n_chunks = 4
    chunk_rows = src_rows // n_chunks
    mesh = plsc.VectorSubcoreMesh(core_axis_name="c", subcore_axis_name="s",
                                  num_cores=nc, num_subcores=ns)

    @functools.partial(
        pl.kernel,
        mesh=mesh,
        out_type=(
            jax.ShapeDtypeStruct((nw, NUM_BINS_TOTAL), jnp.float32),
            jax.ShapeDtypeStruct((nw, NUM_BINS_TOTAL), jnp.float32),
        ),
        scratch_types=[
            pltpu.VMEM((2, 3 * 64, 128), jnp.float32),
            pltpu.VMEM((3, 128), jnp.float32),
            pltpu.VMEM((REP_WORDS,), jnp.float32),
            pltpu.VMEM((NUM_BINS_TOTAL,), jnp.float32),
            pltpu.VMEM((NUM_BINS_TOTAL,), jnp.float32),
            pltpu.SemaphoreType.DMA,
            pltpu.SemaphoreType.DMA,
            pltpu.SemaphoreType.DMA,
        ],
        compiler_params=pltpu.CompilerParams(needs_layout_passes=False),
    )
    def sc_hist(src_hbm, tgt_hbm, out_s_hbm, out_t_hbm,
                cbuf, pbuf, rep, hist_s, hist_t, sem0, sem1, psem):
        wid = lax.axis_index("c") * ns + lax.axis_index("s")
        row0 = wid * src_rows
        sems = [sem0, sem1]
        lane_base = lax.iota(jnp.int32, LANES) * REP_STRIDE
        ones = jnp.full((LANES,), 1.0, jnp.float32)
        zeros = jnp.zeros((LANES,), jnp.float32)

        def start_chunk(c):
            buf = c & 1
            return [
                pltpu.async_copy(
                    src_hbm.at[ch, pl.ds(row0 + c * chunk_rows, chunk_rows)],
                    cbuf.at[buf, pl.ds(ch * 64, chunk_rows)], sems[buf])
                for ch in range(3)
            ]

        inflight = start_chunk(0)
        pcopies = [
            pltpu.async_copy(tgt_hbm.at[ch, pl.ds(wid, 1)],
                             pbuf.at[pl.ds(ch, 1)], psem)
            for ch in range(3)
        ]

        @plsc.parallel_loop(0, REP_WORDS // LANES, unroll=8)
        def zrep(j):
            rep[pl.ds(j * LANES, LANES)] = zeros

        @plsc.parallel_loop(0, NUM_BINS_TOTAL // LANES, unroll=8)
        def zt(j):
            hist_t[pl.ds(j * LANES, LANES)] = zeros

        for c in range(n_chunks):
            for cp in inflight:
                cp.wait()
            if c + 1 < n_chunks:
                inflight = start_chunk(c + 1)
            buf = c & 1

            @plsc.parallel_loop(0, chunk_rows * 8, unroll=8)
            def body(i):
                sl = pl.ds((i & 7) * LANES, LANES)
                r = i >> 3
                idx = _quantize(cbuf[buf, r, sl], cbuf[buf, 64 + r, sl],
                                cbuf[buf, 128 + r, sl])
                plsc.addupdate_scatter(rep, [idx + lane_base], ones)

        @plsc.parallel_loop(0, NUM_BINS_TOTAL // LANES, unroll=2)
        def merge(j):
            acc = rep[pl.ds(j * LANES, LANES)]
            for l in range(1, LANES):
                acc = acc + rep[pl.ds(l * REP_STRIDE + j * LANES, LANES)]
            hist_s[pl.ds(j * LANES, LANES)] = acc

        for cp in pcopies:
            cp.wait()

        @plsc.parallel_loop(0, tgt_w // LANES, unroll=2)
        def tbody(i):
            sl = pl.ds(i * LANES, LANES)
            idx = _quantize(pbuf[0, sl], pbuf[1, sl], pbuf[2, sl])
            cnt, last = plsc.scan_count(idx)
            plsc.addupdate_scatter(hist_t, [idx], cnt.astype(jnp.float32),
                                   mask=last)

        pltpu.sync_copy(hist_s, out_s_hbm.at[wid])
        pltpu.sync_copy(hist_t, out_t_hbm.at[wid])

    return sc_hist


def _loss_body(s_ref, t_ref, o_ref):
    hs = jnp.sum(s_ref[...], axis=0, keepdims=True)
    ht = jnp.sum(t_ref[...], axis=0, keepdims=True)
    hs = hs / (jnp.sum(hs) + 1e-08)
    ht = ht / (jnp.sum(ht) + 1e-08)
    o_ref[...] = jnp.broadcast_to(jnp.mean(jnp.abs(hs - ht)), (1, 1))


def kernel(source_colors, target_palette):
    n_src = source_colors.shape[0]
    n_tgt = target_palette.shape[0]
    sc_hist = _make_sc_kernel(n_src, n_tgt)
    part_s, part_t = sc_hist(
        source_colors.T.reshape(3, n_src // 128, 128),
        target_palette.T.reshape(3, n_tgt // 128, 128))

    loss = pl.pallas_call(
        _loss_body,
        out_shape=jax.ShapeDtypeStruct((1, 1), jnp.float32),
    )(part_s, part_t)
    return loss[0, 0]

# --- scband reference (transcript-rebuilt; emitter-appended) ---
"""Pipeline reference for scband-color-histogram-loss-12704513261608 (READ-ONLY COPY).

The authoritative reference and input builder live on the scoring server;
editing this copy changes nothing except your own understanding.
"""

import jax, jax.numpy as jnp
import numpy as np

NUM_BINS = 16


def _compute_histogram(colors, num_bins=NUM_BINS):
    q = (colors * (num_bins - 1)).astype(jnp.int32)
    q = jnp.clip(q, 0, num_bins - 1)
    flat_idx = q[:, 0] * num_bins * num_bins + q[:, 1] * num_bins + q[:, 2]
    hist = jnp.zeros(num_bins ** 3, dtype=colors.dtype).at[flat_idx].add(1.0)
    hist = hist / (hist.sum() + 1e-08)
    return hist


def setup_inputs(seed: int = 0) -> dict:
    key = jax.random.key(seed)
    k1, k2 = jax.random.split(key)
    source_colors = jax.random.uniform(k1, (1048576, 3), dtype=jnp.float32)
    target_palette = jax.random.uniform(k2, (4096, 3), dtype=jnp.float32)
    return {"source_colors": source_colors, "target_palette": target_palette}


def reference(source_colors, target_palette):
    source_hist = _compute_histogram(source_colors, NUM_BINS)
    target_hist = _compute_histogram(target_palette, NUM_BINS)
    loss = jnp.abs(source_hist - target_hist).mean()
    return loss

if __name__ == "__main__":
    import jax
    _d = setup_inputs()
    print(jax.jit(kernel)(*tuple(_d.values())))

</pallas_src>

<mosaic_0001>
#map = affine_map<(d0, d1) -> (0, 0, 0)>
#map1 = affine_map<(d0, d1) -> (0, 0)>
module attributes {stable_mosaic.version = 14 : i64} {
  func.func @sc_hist(%arg0: i32, %arg1: i32, %arg2: memref<3x8192x128xf32, #tpu.memory_space<hbm>>, %arg3: memref<3x32x128xf32, #tpu.memory_space<hbm>>, %arg4: memref<32x4096xf32, #tpu.memory_space<hbm>>, %arg5: memref<32x4096xf32, #tpu.memory_space<hbm>>, %arg6: memref<2x192x128xf32, #tpu.memory_space<vmem>>, %arg7: memref<3x128xf32, #tpu.memory_space<vmem>>, %arg8: memref<65552xf32, #tpu.memory_space<vmem>>, %arg9: memref<4096xf32, #tpu.memory_space<vmem>>, %arg10: memref<4096xf32, #tpu.memory_space<vmem>>, %arg11: memref<!tpu.dma_semaphore, #tpu.memory_space<semaphore_mem>>, %arg12: memref<!tpu.dma_semaphore, #tpu.memory_space<semaphore_mem>>, %arg13: memref<!tpu.dma_semaphore, #tpu.memory_space<semaphore_mem>>) attributes {dimension_semantics = [#tpu.dimension_semantics<core_parallel>, #tpu.dimension_semantics<subcore_parallel>], iteration_bounds = array<i64: 2, 16>, scalar_prefetch = 0 : i64, scratch_operands = 8 : i64, tpu.core_type = #tpu.core_type<sc_vector_subcore>, window_params = [{transform_indices = #map}, {transform_indices = #map}, {transform_indices = #map1}, {transform_indices = #map1}]} {
    %mul3A = arith.constant 16 : i32
    %mul3A_0 = arith.muli %arg0, %mul3A : i32
    %add3A = arith.addi %mul3A_0, %arg1 : i32
    %mul3A_1 = arith.constant 256 : i32
    %mul3A_2 = arith.muli %add3A, %mul3A_1 : i32
    %iota3A = tpu.iota {dimensions = array<i32: 0>} : vector<16xi32>
    %mul3A_3 = arith.constant 4097 : i32
    %mul3A_4 = vector.broadcast %mul3A_3 : i32 to vector<16xi32>
    %mul3A_5 = arith.muli %iota3A, %mul3A_4 : vector<16xi32>
    %broadcast_in_dim3A = arith.constant 1.000000e+00 : f32
    %broadcast_in_dim3A_6 = vector.broadcast %broadcast_in_dim3A : f32 to vector<16xf32>
    %broadcast_in_dim3A_7 = arith.constant 0.000000e+00 : f32
    %broadcast_in_dim3A_8 = vector.broadcast %broadcast_in_dim3A_7 : f32 to vector<16xf32>
    %add3A_9 = arith.constant 0 : i32
    %add3A_10 = arith.addi %mul3A_2, %add3A_9 : i32
    %dma_start3A = arith.constant 0 : i32
    %dma_start3A_11 = arith.constant 0 : i32
    %dma_start3A_12 = arith.constant 0 : i32
    %dma_start3A_13 = arith.constant 0 : i32
    %dma_start3A_14 = tpu.memref_slice %arg6[%dma_start3A_11, %dma_start3A_12, %dma_start3A_13] : memref<2x192x128xf32, #tpu.memory_space<vmem>> -> memref<1x64x128xf32, #tpu.memory_space<vmem>>
    %dma_start3A_15 = tpu.memref_squeeze %dma_start3A_14 : memref<1x64x128xf32, #tpu.memory_space<vmem>> -> memref<64x128xf32, #tpu.memory_space<vmem>>
    %dma_start3A_16 = arith.constant 0 : i32
    %dma_start3A_17 = tpu.memref_slice %arg2[%dma_start3A, %add3A_10, %dma_start3A_16] : memref<3x8192x128xf32, #tpu.memory_space<hbm>> -> memref<1x64x128xf32, #tpu.memory_space<hbm>>
    %dma_start3A_18 = tpu.memref_squeeze %dma_start3A_17 : memref<1x64x128xf32, #tpu.memory_space<hbm>> -> memref<64x128xf32, #tpu.memory_space<hbm>>
    %dma_start3A_19 = arith.constant 0 : i32
    %dma_start3A_20 = arith.constant 0 : i32
    %dma_start3A_21 = tpu.memref_slice %arg6[%dma_start3A_11, %dma_start3A_19, %dma_start3A_20] : memref<2x192x128xf32, #tpu.memory_space<vmem>> -> memref<1x64x128xf32, #tpu.memory_space<vmem>>
    %dma_start3A_22 = tpu.memref_squeeze %dma_start3A_21 : memref<1x64x128xf32, #tpu.memory_space<vmem>> -> memref<64x128xf32, #tpu.memory_space<vmem>>
    %dma_start3A_23 = arith.constant 0 : i32
    %dma_start3A_24 = tpu.memref_slice %arg2[%dma_start3A, %add3A_10, %dma_start3A_23] : memref<3x8192x128xf32, #tpu.memory_space<hbm>> -> memref<1x64x128xf32, #tpu.memory_space<hbm>>
    %dma_start3A_25 = tpu.memref_squeeze %dma_start3A_24 : memref<1x64x128xf32, #tpu.memory_space<hbm>> -> memref<64x128xf32, #tpu.memory_space<hbm>>
    tpu.enqueue_dma source(%dma_start3A_25 : memref<64x128xf32, #tpu.memory_space<hbm>>) target(%dma_start3A_22 : memref<64x128xf32, #tpu.memory_space<vmem>>) target_semaphore(%arg11 : memref<!tpu.dma_semaphore, #tpu.memory_space<semaphore_mem>>)
    %add3A_26 = arith.constant 0 : i32
    %add3A_27 = arith.addi %mul3A_2, %add3A_26 : i32
    %dma_start3A_28 = arith.constant 1 : i32
    %dma_start3A_29 = arith.constant 0 : i32
    %dma_start3A_30 = arith.constant 64 : i32
    %dma_start3A_31 = arith.constant 0 : i32
    %dma_start3A_32 = tpu.memref_slice %arg6[%dma_start3A_29, %dma_start3A_30, %dma_start3A_31] : memref<2x192x128xf32, #tpu.memory_space<vmem>> -> memref<1x64x128xf32, #tpu.memory_space<vmem>>
    %dma_start3A_33 = tpu.memref_squeeze %dma_start3A_32 : memref<1x64x128xf32, #tpu.memory_space<vmem>> -> memref<64x128xf32, #tpu.memory_space<vmem>>
    %dma_start3A_34 = arith.constant 0 : i32
    %dma_start3A_35 = tpu.memref_slice %arg2[%dma_start3A_28, %add3A_27, %dma_start3A_34] : memref<3x8192x128xf32, #tpu.memory_space<hbm>> -> memref<1x64x128xf32, #tpu.memory_space<hbm>>
    %dma_start3A_36 = tpu.memref_squeeze %dma_start3A_35 : memref<1x64x128xf32, #tpu.memory_space<hbm>> -> memref<64x128xf32, #tpu.memory_space<hbm>>
    %dma_start3A_37 = arith.constant 64 : i32
    %dma_start3A_38 = arith.constant 0 : i32
    %dma_start3A_39 = tpu.memref_slice %arg6[%dma_start3A_29, %dma_start3A_37, %dma_start3A_38] : memref<2x192x128xf32, #tpu.memory_space<vmem>> -> memref<1x64x128xf32, #tpu.memory_space<vmem>>
    %dma_start3A_40 = tpu.memref_squeeze %dma_start3A_39 : memref<1x64x128xf32, #tpu.memory_space<vmem>> -> memref<64x128xf32, #tpu.memory_space<vmem>>
    %dma_start3A_41 = arith.constant 0 : i32
    %dma_start3A_42 = tpu.memref_slice %arg2[%dma_start3A_28, %add3A_27, %dma_start3A_41] : memref<3x8192x128xf32, #tpu.memory_space<hbm>> -> memref<1x64x128xf32, #tpu.memory_space<hbm>>
    %dma_start3A_43 = tpu.memref_squeeze %dma_start3A_42 : memref<1x64x128xf32, #tpu.memory_space<hbm>> -> memref<64x128xf32, #tpu.memory_space<hbm>>
    tpu.enqueue_dma source(%dma_start3A_43 : memref<64x128xf32, #tpu.memory_space<hbm>>) target(%dma_start3A_40 : memref<64x128xf32, #tpu.memory_space<vmem>>) target_semaphore(%arg11 : memref<!tpu.dma_semaphore, #tpu.memory_space<semaphore_mem>>)
    %add3A_44 = arith.constant 0 : i32
    %add3A_45 = arith.addi %mul3A_2, %add3A_44 : i32
    %dma_start3A_46 = arith.constant 2 : i32
    %dma_start3A_47 = arith.constant 0 : i32
    %dma_start3A_48 = arith.constant 128 : i32
    %dma_start3A_49 = arith.constant 0 : i32
    %dma_start3A_50 = tpu.memref_slice %arg6[%dma_start3A_47, %dma_start3A_48, %dma_start3A_49] : memref<2x192x128xf32, #tpu.memory_space<vmem>> -> memref<1x64x128xf32, #tpu.memory_space<vmem>>
    %dma_start3A_51 = tpu.memref_squeeze %dma_start3A_50 : memref<1x64x128xf32, #tpu.memory_space<vmem>> -> memref<64x128xf32, #tpu.memory_space<vmem>>
    %dma_start3A_52 = arith.constant 0 : i32
    %dma_start3A_53 = tpu.memref_slice %arg2[%dma_start3A_46, %add3A_45, %dma_start3A_52] : memref<3x8192x128xf32, #tpu.memory_space<hbm>> -> memref<1x64x128xf32, #tpu.memory_space<hbm>>
    %dma_start3A_54 = tpu.memref_squeeze %dma_start3A_53 : memref<1x64x128xf32, #tpu.memory_space<hbm>> -> memref<64x128xf32, #tpu.memory_space<hbm>>
    %dma_start3A_55 = arith.constant 128 : i32
    %dma_start3A_56 = arith.constant 0 : i32
    %dma_start3A_57 = tpu.memref_slice %arg6[%dma_start3A_47, %dma_start3A_55, %dma_start3A_56] : memref<2x192x128xf32, #tpu.memory_space<vmem>> -> memref<1x64x128xf32, #tpu.memory_space<vmem>>
    %dma_start3A_58 = tpu.memref_squeeze %dma_start3A_57 : memref<1x64x128xf32, #tpu.memory_space<vmem>> -> memref<64x128xf32, #tpu.memory_space<vmem>>
    %dma_start3A_59 = arith.constant 0 : i32
    %dma_start3A_60 = tpu.memref_slice %arg2[%dma_start3A_46, %add3A_45, %dma_start3A_59] : memref<3x8192x128xf32, #tpu.memory_space<hbm>> -> memref<1x64x128xf32, #tpu.memory_space<hbm>>
    %dma_start3A_61 = tpu.memref_squeeze %dma_start3A_60 : memref<1x64x128xf32, #tpu.memory_space<hbm>> -> memref<64x128xf32, #tpu.memory_space<hbm>>
    tpu.enqueue_dma source(%dma_start3A_61 : memref<64x128xf32, #tpu.memory_space<hbm>>) target(%dma_start3A_58 : memref<64x128xf32, #tpu.memory_space<vmem>>) target_semaphore(%arg11 : memref<!tpu.dma_semaphore, #tpu.memory_space<semaphore_mem>>)
    %dma_start3A_62 = arith.constant 0 : i32
    %dma_start3A_63 = arith.constant 0 : i32
    %dma_start3A_64 = arith.constant 0 : i32
    %dma_start3A_65 = tpu.memref_slice %arg7[%dma_start3A_63, %dma_start3A_64] : memref<3x128xf32, #tpu.memory_space<vmem>> -> memref<1x128xf32, #tpu.memory_space<vmem>>
    %dma_start3A_66 = arith.constant 0 : i32
    %dma_start3A_67 = tpu.memref_slice %arg3[%dma_start3A_62, %add3A, %dma_start3A_66] : memref<3x32x128xf32, #tpu.memory_space<hbm>> -> memref<1x1x128xf32, #tpu.memory_space<hbm>>
    %dma_start3A_68 = tpu.memref_squeeze %dma_start3A_67 : memref<1x1x128xf32, #tpu.memory_space<hbm>> -> memref<1x128xf32, #tpu.memory_space<hbm>>
    %dma_start3A_69 = arith.constant 0 : i32
    %dma_start3A_70 = arith.constant 0 : i32
    %dma_start3A_71 = tpu.memref_slice %arg7[%dma_start3A_69, %dma_start3A_70] : memref<3x128xf32, #tpu.memory_space<vmem>> -> memref<1x128xf32, #tpu.memory_space<vmem>>
    %dma_start3A_72 = arith.constant 0 : i32
    %dma_start3A_73 = tpu.memref_slice %arg3[%dma_start3A_62, %add3A, %dma_start3A_72] : memref<3x32x128xf32, #tpu.memory_space<hbm>> -> memref<1x1x128xf32, #tpu.memory_space<hbm>>
    %dma_start3A_74 = tpu.memref_squeeze %dma_start3A_73 : memref<1x1x128xf32, #tpu.memory_space<hbm>> -> memref<1x128xf32, #tpu.memory_space<hbm>>
    tpu.enqueue_dma source(%dma_start3A_74 : memref<1x128xf32, #tpu.memory_space<hbm>>) target(%dma_start3A_71 : memref<1x128xf32, #tpu.memory_space<vmem>>) target_semaphore(%arg13 : memref<!tpu.dma_semaphore, #tpu.memory_space<semaphore_mem>>)
    %dma_start3A_75 = arith.constant 1 : i32
    %dma_start3A_76 = arith.constant 1 : i32
    %dma_start3A_77 = arith.constant 0 : i32
    %dma_start3A_78 = tpu.memref_slice %arg7[%dma_start3A_76, %dma_start3A_77] : memref<3x128xf32, #tpu.memory_space<vmem>> -> memref<1x128xf32, #tpu.memory_space<vmem>>
    %dma_start3A_79 = arith.constant 0 : i32
    %dma_start3A_80 = tpu.memref_slice %arg3[%dma_start3A_75, %add3A, %dma_start3A_79] : memref<3x32x128xf32, #tpu.memory_space<hbm>> -> memref<1x1x128xf32, #tpu.memory_space<hbm>>
    %dma_start3A_81 = tpu.memref_squeeze %dma_start3A_80 : memref<1x1x128xf32, #tpu.memory_space<hbm>> -> memref<1x128xf32, #tpu.memory_space<hbm>>
    %dma_start3A_82 = arith.constant 1 : i32
    %dma_start3A_83 = arith.constant 0 : i32
    %dma_start3A_84 = tpu.memref_slice %arg7[%dma_start3A_82, %dma_start3A_83] : memref<3x128xf32, #tpu.memory_space<vmem>> -> memref<1x128xf32, #tpu.memory_space<vmem>>
    %dma_start3A_85 = arith.constant 0 : i32
    %dma_start3A_86 = tpu.memref_slice %arg3[%dma_start3A_75, %add3A, %dma_start3A_85] : memref<3x32x128xf32, #tpu.memory_space<hbm>> -> memref<1x1x128xf32, #tpu.memory_space<hbm>>
    %dma_start3A_87 = tpu.memref_squeeze %dma_start3A_86 : memref<1x1x128xf32, #tpu.memory_space<hbm>> -> memref<1x128xf32, #tpu.memory_space<hbm>>
    tpu.enqueue_dma source(%dma_start3A_87 : memref<1x128xf32, #tpu.memory_space<hbm>>) target(%dma_start3A_84 : memref<1x128xf32, #tpu.memory_space<vmem>>) target_semaphore(%arg13 : memref<!tpu.dma_semaphore, #tpu.memory_space<semaphore_mem>>)
    %dma_start3A_88 = arith.constant 2 : i32
    %dma_start3A_89 = arith.constant 2 : i32
    %dma_start3A_90 = arith.constant 0 : i32
    %dma_start3A_91 = tpu.memref_slice %arg7[%dma_start3A_89, %dma_start3A_90] : memref<3x128xf32, #tpu.memory_space<vmem>> -> memref<1x128xf32, #tpu.memory_space<vmem>>
    %dma_start3A_92 = arith.constant 0 : i32
    %dma_start3A_93 = tpu.memref_slice %arg3[%dma_start3A_88, %add3A, %dma_start3A_92] : memref<3x32x128xf32, #tpu.memory_space<hbm>> -> memref<1x1x128xf32, #tpu.memory_space<hbm>>
    %dma_start3A_94 = tpu.memref_squeeze %dma_start3A_93 : memref<1x1x128xf32, #tpu.memory_space<hbm>> -> memref<1x128xf32, #tpu.memory_space<hbm>>
    %dma_start3A_95 = arith.constant 2 : i32
    %dma_start3A_96 = arith.constant 0 : i32
    %dma_start3A_97 = tpu.memref_slice %arg7[%dma_start3A_95, %dma_start3A_96] : memref<3x128xf32, #tpu.memory_space<vmem>> -> memref<1x128xf32, #tpu.memory_space<vmem>>
    %dma_start3A_98 = arith.constant 0 : i32
    %dma_start3A_99 = tpu.memref_slice %arg3[%dma_start3A_88, %add3A, %dma_start3A_98] : memref<3x32x128xf32, #tpu.memory_space<hbm>> -> memref<1x1x128xf32, #tpu.memory_space<hbm>>
    %dma_start3A_100 = tpu.memref_squeeze %dma_start3A_99 : memref<1x1x128xf32, #tpu.memory_space<hbm>> -> memref<1x128xf32, #tpu.memory_space<hbm>>
    tpu.enqueue_dma source(%dma_start3A_100 : memref<1x128xf32, #tpu.memory_space<hbm>>) target(%dma_start3A_97 : memref<1x128xf32, #tpu.memory_space<vmem>>) target_semaphore(%arg13 : memref<!tpu.dma_semaphore, #tpu.memory_space<semaphore_mem>>)
    %parallel_loop3A = arith.constant 0 : i32
    %parallel_loop3A_101 = arith.constant 4097 : i32
    %parallel_loop3A_102 = arith.constant 1 : i32
    scf.for %parallel_loop3A_516 = %parallel_loop3A to %parallel_loop3A_101 step %parallel_loop3A_102  : i32 {
      %parallel_loop3A_517 = arith.constant 16 : i32
      %parallel_loop3A_518 = arith.muli %parallel_loop3A_516, %parallel_loop3A_517 : i32
      %parallel_loop3A_519 = arith.index_cast %parallel_loop3A_518 : i32 to index
      %parallel_loop3A_520 = tpu.vector_load %arg8[%parallel_loop3A_519] {strides = array<i32>} : memref<65552xf32, #tpu.memory_space<vmem>>, vector<16xf32>,
      tpu.vector_store %arg8[%parallel_loop3A_519], %broadcast_in_dim3A_8 {strides = array<i32>} : memref<65552xf32, #tpu.memory_space<vmem>>, vector<16xf32>,
    } {sc.loop_unroll_factor = 8 : i64, sc.parallel_access}
    %parallel_loop3A_103 = arith.constant 0 : i32
    %parallel_loop3A_104 = arith.constant 256 : i32
    %parallel_loop3A_105 = arith.constant 1 : i32
    scf.for %parallel_loop3A_516 = %parallel_loop3A_103 to %parallel_loop3A_104 step %parallel_loop3A_105  : i32 {
      %parallel_loop3A_517 = arith.constant 16 : i32
      %parallel_loop3A_518 = arith.muli %parallel_loop3A_516, %parallel_loop3A_517 : i32
      %parallel_loop3A_519 = arith.index_cast %parallel_loop3A_518 : i32 to index
      %parallel_loop3A_520 = tpu.vector_load %arg10[%parallel_loop3A_519] {strides = array<i32>} : memref<4096xf32, #tpu.memory_space<vmem>>, vector<16xf32>,
      tpu.vector_store %arg10[%parallel_loop3A_519], %broadcast_in_dim3A_8 {strides = array<i32>} : memref<4096xf32, #tpu.memory_space<vmem>>, vector<16xf32>,
    } {sc.loop_unroll_factor = 8 : i64, sc.parallel_access}
    %dma_wait3A = arith.constant 0 : i32
    %dma_wait3A_106 = arith.constant 0 : i32
    %dma_wait3A_107 = arith.constant 0 : i32
    %dma_wait3A_108 = arith.constant 0 : i32
    %dma_wait3A_109 = tpu.memref_slice %arg6[%dma_wait3A_106, %dma_wait3A_107, %dma_wait3A_108] : memref<2x192x128xf32, #tpu.memory_space<vmem>> -> memref<1x64x128xf32, #tpu.memory_space<vmem>>
    %dma_wait3A_110 = tpu.memref_squeeze %dma_wait3A_109 : memref<1x64x128xf32, #tpu.memory_space<vmem>> -> memref<64x128xf32, #tpu.memory_space<vmem>>
    %dma_wait3A_111 = arith.constant 0 : i32
    %dma_wait3A_112 = tpu.memref_slice %arg2[%dma_wait3A, %add3A_10, %dma_wait3A_111] : memref<3x8192x128xf32, #tpu.memory_space<hbm>> -> memref<1x64x128xf32, #tpu.memory_space<hbm>>
    %dma_wait3A_113 = tpu.memref_squeeze %dma_wait3A_112 : memref<1x64x128xf32, #tpu.memory_space<hbm>> -> memref<64x128xf32, #tpu.memory_space<hbm>>
    %dma_wait3A_114 = arith.constant 0 : i32
    %dma_wait3A_115 = arith.constant 0 : i32
    %dma_wait3A_116 = tpu.memref_slice %arg6[%dma_wait3A_106, %dma_wait3A_114, %dma_wait3A_115] : memref<2x192x128xf32, #tpu.memory_space<vmem>> -> memref<1x64x128xf32, #tpu.memory_space<vmem>>
    %dma_wait3A_117 = tpu.memref_squeeze %dma_wait3A_116 : memref<1x64x128xf32, #tpu.memory_space<vmem>> -> memref<64x128xf32, #tpu.memory_space<vmem>>
    %dma_wait3A_118 = arith.constant 0 : i32
    %dma_wait3A_119 = tpu.memref_slice %arg2[%dma_wait3A, %add3A_10, %dma_wait3A_118] : memref<3x8192x128xf32, #tpu.memory_space<hbm>> -> memref<1x64x128xf32, #tpu.memory_space<hbm>>
    %dma_wait3A_120 = tpu.memref_squeeze %dma_wait3A_119 : memref<1x64x128xf32, #tpu.memory_space<hbm>> -> memref<64x128xf32, #tpu.memory_space<hbm>>
    tpu.wait_dma2 semaphore(%arg11 : memref<!tpu.dma_semaphore, #tpu.memory_space<semaphore_mem>>) src(%dma_wait3A_120 : memref<64x128xf32, #tpu.memory_space<hbm>>) dst(%dma_wait3A_117 : memref<64x128xf32, #tpu.memory_space<vmem>>)
    %dma_wait3A_121 = arith.constant 1 : i32
    %dma_wait3A_122 = arith.constant 0 : i32
    %dma_wait3A_123 = arith.constant 64 : i32
    %dma_wait3A_124 = arith.constant 0 : i32
    %dma_wait3A_125 = tpu.memref_slice %arg6[%dma_wait3A_122, %dma_wait3A_123, %dma_wait3A_124] : memref<2x192x128xf32, #tpu.memory_space<vmem>> -> memref<1x64x128xf32, #tpu.memory_space<vmem>>
    %dma_wait3A_126 = tpu.memref_squeeze %dma_wait3A_125 : memref<1x64x128xf32, #tpu.memory_space<vmem>> -> memref<64x128xf32, #tpu.memory_space<vmem>>
    %dma_wait3A_127 = arith.constant 0 : i32
    %dma_wait3A_128 = tpu.memref_slice %arg2[%dma_wait3A_121, %add3A_27, %dma_wait3A_127] : memref<3x8192x128xf32, #tpu.memory_space<hbm>> -> memref<1x64x128xf32, #tpu.memory_space<hbm>>
    %dma_wait3A_129 = tpu.memref_squeeze %dma_wait3A_128 : memref<1x64x128xf32, #tpu.memory_space<hbm>> -> memref<64x128xf32, #tpu.memory_space<hbm>>
    %dma_wait3A_130 = arith.constant 64 : i32
    %dma_wait3A_131 = arith.constant 0 : i32
    %dma_wait3A_132 = tpu.memref_slice %arg6[%dma_wait3A_122, %dma_wait3A_130, %dma_wait3A_131] : memref<2x192x128xf32, #tpu.memory_space<vmem>> -> memref<1x64x128xf32, #tpu.memory_space<vmem>>
    %dma_wait3A_133 = tpu.memref_squeeze %dma_wait3A_132 : memref<1x64x128xf32, #tpu.memory_space<vmem>> -> memref<64x128xf32, #tpu.memory_space<vmem>>
    %dma_wait3A_134 = arith.constant 0 : i32
    %dma_wait3A_135 = tpu.memref_slice %arg2[%dma_wait3A_121, %add3A_27, %dma_wait3A_134] : memref<3x8192x128xf32, #tpu.memory_space<hbm>> -> memref<1x64x128xf32, #tpu.memory_space<hbm>>
    %dma_wait3A_136 = tpu.memref_squeeze %dma_wait3A_135 : memref<1x64x128xf32, #tpu.memory_space<hbm>> -> memref<64x128xf32, #tpu.memory_space<hbm>>
    tpu.wait_dma2 semaphore(%arg11 : memref<!tpu.dma_semaphore, #tpu.memory_space<semaphore_mem>>) src(%dma_wait3A_136 : memref<64x128xf32, #tpu.memory_space<hbm>>) dst(%dma_wait3A_133 : memref<64x128xf32, #tpu.memory_space<vmem>>)
    %dma_wait3A_137 = arith.constant 2 : i32
    %dma_wait3A_138 = arith.constant 0 : i32
    %dma_wait3A_139 = arith.constant 128 : i32
    %dma_wait3A_140 = arith.constant 0 : i32
    %dma_wait3A_141 = tpu.memref_slice %arg6[%dma_wait3A_138, %dma_wait3A_139, %dma_wait3A_140] : memref<2x192x128xf32, #tpu.memory_space<vmem>> -> memref<1x64x128xf32, #tpu.memory_space<vmem>>
    %dma_wait3A_142 = tpu.memref_squeeze %dma_wait3A_141 : memref<1x64x128xf32, #tpu.memory_space<vmem>> -> memref<64x128xf32, #tpu.memory_space<vmem>>
    %dma_wait3A_143 = arith.constant 0 : i32
    %dma_wait3A_144 = tpu.memref_slice %arg2[%dma_wait3A_137, %add3A_45, %dma_wait3A_143] : memref<3x8192x128xf32, #tpu.memory_space<hbm>> -> memref<1x64x128xf32, #tpu.memory_space<hbm>>
    %dma_wait3A_145 = tpu.memref_squeeze %dma_wait3A_144 : memref<1x64x128xf32, #tpu.memory_space<hbm>> -> memref<64x128xf32, #tpu.memory_space<hbm>>
    %dma_wait3A_146 = arith.constant 128 : i32
    %dma_wait3A_147 = arith.constant 0 : i32
    %dma_wait3A_148 = tpu.memref_slice %arg6[%dma_wait3A_138, %dma_wait3A_146, %dma_wait3A_147] : memref<2x192x128xf32, #tpu.memory_space<vmem>> -> memref<1x64x128xf32, #tpu.memory_space<vmem>>
    %dma_wait3A_149 = tpu.memref_squeeze %dma_wait3A_148 : memref<1x64x128xf32, #tpu.memory_space<vmem>> -> memref<64x128xf32, #tpu.memory_space<vmem>>
    %dma_wait3A_150 = arith.constant 0 : i32
    %dma_wait3A_151 = tpu.memref_slice %arg2[%dma_wait3A_137, %add3A_45, %dma_wait3A_150] : memref<3x8192x128xf32, #tpu.memory_space<hbm>> -> memref<1x64x128xf32, #tpu.memory_space<hbm>>
    %dma_wait3A_152 = tpu.memref_squeeze %dma_wait3A_151 : memref<1x64x128xf32, #tpu.memory_space<hbm>> -> memref<64x128xf32, #tpu.memory_space<hbm>>
    tpu.wait_dma2 semaphore(%arg11 : memref<!tpu.dma_semaphore, #tpu.memory_space<semaphore_mem>>) src(%dma_wait3A_152 : memref<64x128xf32, #tpu.memory_space<hbm>>) dst(%dma_wait3A_149 : memref<64x128xf32, #tpu.memory_space<vmem>>)
    %add3A_153 = arith.constant 64 : i32
    %add3A_154 = arith.addi %mul3A_2, %add3A_153 : i32
    %dma_start3A_155 = arith.constant 0 : i32
    %dma_start3A_156 = arith.constant 1 : i32
    %dma_start3A_157 = arith.constant 0 : i32
    %dma_start3A_158 = arith.constant 0 : i32
    %dma_start3A_159 = tpu.memref_slice %arg6[%dma_start3A_156, %dma_start3A_157, %dma_start3A_158] : memref<2x192x128xf32, #tpu.memory_space<vmem>> -> memref<1x64x128xf32, #tpu.memory_space<vmem>>
    %dma_start3A_160 = tpu.memref_squeeze %dma_start3A_159 : memref<1x64x128xf32, #tpu.memory_space<vmem>> -> memref<64x128xf32, #tpu.memory_space<vmem>>
    %dma_start3A_161 = arith.constant 0 : i32
    %dma_start3A_162 = tpu.memref_slice %arg2[%dma_start3A_155, %add3A_154, %dma_start3A_161] : memref<3x8192x128xf32, #tpu.memory_space<hbm>> -> memref<1x64x128xf32, #tpu.memory_space<hbm>>
    %dma_start3A_163 = tpu.memref_squeeze %dma_start3A_162 : memref<1x64x128xf32, #tpu.memory_space<hbm>> -> memref<64x128xf32, #tpu.memory_space<hbm>>
    %dma_start3A_164 = arith.constant 0 : i32
    %dma_start3A_165 = arith.constant 0 : i32
    %dma_start3A_166 = tpu.memref_slice %arg6[%dma_start3A_156, %dma_start3A_164, %dma_start3A_165] : memref<2x192x128xf32, #tpu.memory_space<vmem>> -> memref<1x64x128xf32, #tpu.memory_space<vmem>>
    %dma_start3A_167 = tpu.memref_squeeze %dma_start3A_166 : memref<1x64x128xf32, #tpu.memory_space<vmem>> -> memref<64x128xf32, #tpu.memory_space<vmem>>
    %dma_start3A_168 = arith.constant 0 : i32
    %dma_start3A_169 = tpu.memref_slice %arg2[%dma_start3A_155, %add3A_154, %dma_start3A_168] : memref<3x8192x128xf32, #tpu.memory_space<hbm>> -> memref<1x64x128xf32, #tpu.memory_space<hbm>>
    %dma_start3A_170 = tpu.memref_squeeze %dma_start3A_169 : memref<1x64x128xf32, #tpu.memory_space<hbm>> -> memref<64x128xf32, #tpu.memory_space<hbm>>
    tpu.enqueue_dma source(%dma_start3A_170 : memref<64x128xf32, #tpu.memory_space<hbm>>) target(%dma_start3A_167 : memref<64x128xf32, #tpu.memory_space<vmem>>) target_semaphore(%arg12 : memref<!tpu.dma_semaphore, #tpu.memory_space<semaphore_mem>>)
    %add3A_171 = arith.constant 64 : i32
    %add3A_172 = arith.addi %mul3A_2, %add3A_171 : i32
    %dma_start3A_173 = arith.constant 1 : i32
    %dma_start3A_174 = arith.constant 1 : i32
    %dma_start3A_175 = arith.constant 64 : i32
    %dma_start3A_176 = arith.constant 0 : i32
    %dma_start3A_177 = tpu.memref_slice %arg6[%dma_start3A_174, %dma_start3A_175, %dma_start3A_176] : memref<2x192x128xf32, #tpu.memory_space<vmem>> -> memref<1x64x128xf32, #tpu.memory_space<vmem>>
    %dma_start3A_178 = tpu.memref_squeeze %dma_start3A_177 : memref<1x64x128xf32, #tpu.memory_space<vmem>> -> memref<64x128xf32, #tpu.memory_space<vmem>>
    %dma_start3A_179 = arith.constant 0 : i32
    %dma_start3A_180 = tpu.memref_slice %arg2[%dma_start3A_173, %add3A_172, %dma_start3A_179] : memref<3x8192x128xf32, #tpu.memory_space<hbm>> -> memref<1x64x128xf32, #tpu.memory_space<hbm>>
    %dma_start3A_181 = tpu.memref_squeeze %dma_start3A_180 : memref<1x64x128xf32, #tpu.memory_space<hbm>> -> memref<64x128xf32, #tpu.memory_space<hbm>>
    %dma_start3A_182 = arith.constant 64 : i32
    %dma_start3A_183 = arith.constant 0 : i32
    %dma_start3A_184 = tpu.memref_slice %arg6[%dma_start3A_174, %dma_start3A_182, %dma_start3A_183] : memref<2x192x128xf32, #tpu.memory_space<vmem>> -> memref<1x64x128xf32, #tpu.memory_space<vmem>>
    %dma_start3A_185 = tpu.memref_squeeze %dma_start3A_184 : memref<1x64x128xf32, #tpu.memory_space<vmem>> -> memref<64x128xf32, #tpu.memory_space<vmem>>
    %dma_start3A_186 = arith.constant 0 : i32
    %dma_start3A_187 = tpu.memref_slice %arg2[%dma_start3A_173, %add3A_172, %dma_start3A_186] : memref<3x8192x128xf32, #tpu.memory_space<hbm>> -> memref<1x64x128xf32, #tpu.memory_space<hbm>>
    %dma_start3A_188 = tpu.memref_squeeze %dma_start3A_187 : memref<1x64x128xf32, #tpu.memory_space<hbm>> -> memref<64x128xf32, #tpu.memory_space<hbm>>
    tpu.enqueue_dma source(%dma_start3A_188 : memref<64x128xf32, #tpu.memory_space<hbm>>) target(%dma_start3A_185 : memref<64x128xf32, #tpu.memory_space<vmem>>) target_semaphore(%arg12 : memref<!tpu.dma_semaphore, #tpu.memory_space<semaphore_mem>>)
    %add3A_189 = arith.constant 64 : i32
    %add3A_190 = arith.addi %mul3A_2, %add3A_189 : i32
    %dma_start3A_191 = arith.constant 2 : i32
    %dma_start3A_192 = arith.constant 1 : i32
    %dma_start3A_193 = arith.constant 128 : i32
    %dma_start3A_194 = arith.constant 0 : i32
    %dma_start3A_195 = tpu.memref_slice %arg6[%dma_start3A_192, %dma_start3A_193, %dma_start3A_194] : memref<2x192x128xf32, #tpu.memory_space<vmem>> -> memref<1x64x128xf32, #tpu.memory_space<vmem>>
    %dma_start3A_196 = tpu.memref_squeeze %dma_start3A_195 : memref<1x64x128xf32, #tpu.memory_space<vmem>> -> memref<64x128xf32, #tpu.memory_space<vmem>>
    %dma_start3A_197 = arith.constant 0 : i32
    %dma_start3A_198 = tpu.memref_slice %arg2[%dma_start3A_191, %add3A_190, %dma_start3A_197] : memref<3x8192x128xf32, #tpu.memory_space<hbm>> -> memref<1x64x128xf32, #tpu.memory_space<hbm>>
    %dma_start3A_199 = tpu.memref_squeeze %dma_start3A_198 : memref<1x64x128xf32, #tpu.memory_space<hbm>> -> memref<64x128xf32, #tpu.memory_space<hbm>>
    %dma_start3A_200 = arith.constant 128 : i32
    %dma_start3A_201 = arith.constant 0 : i32
    %dma_start3A_202 = tpu.memref_slice %arg6[%dma_start3A_192, %dma_start3A_200, %dma_start3A_201] : memref<2x192x128xf32, #tpu.memory_space<vmem>> -> memref<1x64x128xf32, #tpu.memory_space<vmem>>
    %dma_start3A_203 = tpu.memref_squeeze %dma_start3A_202 : memref<1x64x128xf32, #tpu.memory_space<vmem>> -> memref<64x128xf32, #tpu.memory_space<vmem>>
    %dma_start3A_204 = arith.constant 0 : i32
    %dma_start3A_205 = tpu.memref_slice %arg2[%dma_start3A_191, %add3A_190, %dma_start3A_204] : memref<3x8192x128xf32, #tpu.memory_space<hbm>> -> memref<1x64x128xf32, #tpu.memory_space<hbm>>
    %dma_start3A_206 = tpu.memref_squeeze %dma_start3A_205 : memref<1x64x128xf32, #tpu.memory_space<hbm>> -> memref<64x128xf32, #tpu.memory_space<hbm>>
    tpu.enqueue_dma source(%dma_start3A_206 : memref<64x128xf32, #tpu.memory_space<hbm>>) target(%dma_start3A_203 : memref<64x128xf32, #tpu.memory_space<vmem>>) target_semaphore(%arg12 : memref<!tpu.dma_semaphore, #tpu.memory_space<semaphore_mem>>)
    %parallel_loop3A_207 = arith.constant 0 : i32
    %parallel_loop3A_208 = arith.constant 512 : i32
    %parallel_loop3A_209 = arith.constant 1 : i32
    scf.for %parallel_loop3A_516 = %parallel_loop3A_207 to %parallel_loop3A_208 step %parallel_loop3A_209  : i32 {
      %parallel_loop3A_517 = arith.constant 7 : i32
      %parallel_loop3A_518 = arith.andi %parallel_loop3A_516, %parallel_loop3A_517 : i32
      %parallel_loop3A_519 = arith.constant 16 : i32
      %parallel_loop3A_520 = arith.muli %parallel_loop3A_518, %parallel_loop3A_519 : i32
      %parallel_loop3A_521 = arith.constant 3 : i32
      %parallel_loop3A_522 = arith.shrsi %parallel_loop3A_516, %parallel_loop3A_521 : i32
      %parallel_loop3A_523 = arith.constant 0 : i32
      %parallel_loop3A_524 = arith.index_cast %parallel_loop3A_523 : i32 to index
      %parallel_loop3A_525 = arith.index_cast %parallel_loop3A_522 : i32 to index
      %parallel_loop3A_526 = arith.index_cast %parallel_loop3A_520 : i32 to index
      %parallel_loop3A_527 = tpu.vector_load %arg6[%parallel_loop3A_524, %parallel_loop3A_525, %parallel_loop3A_526] {strides = array<i32>} : memref<2x192x128xf32, #tpu.memory_space<vmem>>, vector<16xf32>,
      %parallel_loop3A_528 = arith.constant 64 : i32
      %parallel_loop3A_529 = arith.addi %parallel_loop3A_528, %parallel_loop3A_522 : i32
      %parallel_loop3A_530 = arith.constant 0 : i32
      %parallel_loop3A_531 = arith.index_cast %parallel_loop3A_530 : i32 to index
      %parallel_loop3A_532 = arith.index_cast %parallel_loop3A_529 : i32 to index
      %parallel_loop3A_533 = arith.index_cast %parallel_loop3A_520 : i32 to index
      %parallel_loop3A_534 = tpu.vector_load %arg6[%parallel_loop3A_531, %parallel_loop3A_532, %parallel_loop3A_533] {strides = array<i32>} : memref<2x192x128xf32, #tpu.memory_space<vmem>>, vector<16xf32>,
      %parallel_loop3A_535 = arith.constant 128 : i32
      %parallel_loop3A_536 = arith.addi %parallel_loop3A_535, %parallel_loop3A_522 : i32
      %parallel_loop3A_537 = arith.constant 0 : i32
      %parallel_loop3A_538 = arith.index_cast %parallel_loop3A_537 : i32 to index
      %parallel_loop3A_539 = arith.index_cast %parallel_loop3A_536 : i32 to index
      %parallel_loop3A_540 = arith.index_cast %parallel_loop3A_520 : i32 to index
      %parallel_loop3A_541 = tpu.vector_load %arg6[%parallel_loop3A_538, %parallel_loop3A_539, %parallel_loop3A_540] {strides = array<i32>} : memref<2x192x128xf32, #tpu.memory_space<vmem>>, vector<16xf32>,
      %parallel_loop3A_542 = arith.constant 1.500000e+01 : f32
      %parallel_loop3A_543 = vector.broadcast %parallel_loop3A_542 : f32 to vector<16xf32>
      %parallel_loop3A_544 = arith.mulf %parallel_loop3A_527, %parallel_loop3A_543 : vector<16xf32>
      %parallel_loop3A_545 = arith.fptosi %parallel_loop3A_544 : vector<16xf32> to vector<16xi32>
      %parallel_loop3A_546 = arith.constant 1.500000e+01 : f32
      %parallel_loop3A_547 = vector.broadcast %parallel_loop3A_546 : f32 to vector<16xf32>
      %parallel_loop3A_548 = arith.mulf %parallel_loop3A_534, %parallel_loop3A_547 : vector<16xf32>
      %parallel_loop3A_549 = arith.fptosi %parallel_loop3A_548 : vector<16xf32> to vector<16xi32>
      %parallel_loop3A_550 = arith.constant 1.500000e+01 : f32
      %parallel_loop3A_551 = vector.broadcast %parallel_loop3A_550 : f32 to vector<16xf32>
      %parallel_loop3A_552 = arith.mulf %parallel_loop3A_541, %parallel_loop3A_551 : vector<16xf32>
      %parallel_loop3A_553 = arith.fptosi %parallel_loop3A_552 : vector<16xf32> to vector<16xi32>
      %parallel_loop3A_554 = arith.constant 256 : i32
      %parallel_loop3A_555 = vector.broadcast %parallel_loop3A_554 : i32 to vector<16xi32>
      %parallel_loop3A_556 = arith.muli %parallel_loop3A_545, %parallel_loop3A_555 : vector<16xi32>
      %parallel_loop3A_557 = arith.constant 16 : i32
      %parallel_loop3A_558 = vector.broadcast %parallel_loop3A_557 : i32 to vector<16xi32>
      %parallel_loop3A_559 = arith.muli %parallel_loop3A_549, %parallel_loop3A_558 : vector<16xi32>
      %parallel_loop3A_560 = arith.addi %parallel_loop3A_556, %parallel_loop3A_559 : vector<16xi32>
      %parallel_loop3A_561 = arith.addi %parallel_loop3A_560, %parallel_loop3A_553 : vector<16xi32>
      %parallel_loop3A_562 = arith.addi %parallel_loop3A_561, %mul3A_5 : vector<16xi32>
      tpu.vector_store_idx %arg8[%parallel_loop3A_562], %broadcast_in_dim3A_6 {add = true} : memref<65552xf32, #tpu.memory_space<vmem>>[vector<16xi32>], vector<16xf32>,
    } {sc.loop_unroll_factor = 8 : i64, sc.parallel_access}
    %dma_wait3A_210 = arith.constant 0 : i32
    %dma_wait3A_211 = arith.constant 1 : i32
    %dma_wait3A_212 = arith.constant 0 : i32
    %dma_wait3A_213 = arith.constant 0 : i32
    %dma_wait3A_214 = tpu.memref_slice %arg6[%dma_wait3A_211, %dma_wait3A_212, %dma_wait3A_213] : memref<2x192x128xf32, #tpu.memory_space<vmem>> -> memref<1x64x128xf32, #tpu.memory_space<vmem>>
    %dma_wait3A_215 = tpu.memref_squeeze %dma_wait3A_214 : memref<1x64x128xf32, #tpu.memory_space<vmem>> -> memref<64x128xf32, #tpu.memory_space<vmem>>
    %dma_wait3A_216 = arith.constant 0 : i32
    %dma_wait3A_217 = tpu.memref_slice %arg2[%dma_wait3A_210, %add3A_154, %dma_wait3A_216] : memref<3x8192x128xf32, #tpu.memory_space<hbm>> -> memref<1x64x128xf32, #tpu.memory_space<hbm>>
    %dma_wait3A_218 = tpu.memref_squeeze %dma_wait3A_217 : memref<1x64x128xf32, #tpu.memory_space<hbm>> -> memref<64x128xf32, #tpu.memory_space<hbm>>
    %dma_wait3A_219 = arith.constant 0 : i32
    %dma_wait3A_220 = arith.constant 0 : i32
    %dma_wait3A_221 = tpu.memref_slice %arg6[%dma_wait3A_211, %dma_wait3A_219, %dma_wait3A_220] : memref<2x192x128xf32, #tpu.memory_space<vmem>> -> memref<1x64x128xf32, #tpu.memory_space<vmem>>
    %dma_wait3A_222 = tpu.memref_squeeze %dma_wait3A_221 : memref<1x64x128xf32, #tpu.memory_space<vmem>> -> memref<64x128xf32, #tpu.memory_space<vmem>>
    %dma_wait3A_223 = arith.constant 0 : i32
    %dma_wait3A_224 = tpu.memref_slice %arg2[%dma_wait3A_210, %add3A_154, %dma_wait3A_223] : memref<3x8192x128xf32, #tpu.memory_space<hbm>> -> memref<1x64x128xf32, #tpu.memory_space<hbm>>
    %dma_wait3A_225 = tpu.memref_squeeze %dma_wait3A_224 : memref<1x64x128xf32, #tpu.memory_space<hbm>> -> memref<64x128xf32, #tpu.memory_space<hbm>>
    tpu.wait_dma2 semaphore(%arg12 : memref<!tpu.dma_semaphore, #tpu.memory_space<semaphore_mem>>) src(%dma_wait3A_225 : memref<64x128xf32, #tpu.memory_space<hbm>>) dst(%dma_wait3A_222 : memref<64x128xf32, #tpu.memory_space<vmem>>)
    %dma_wait3A_226 = arith.constant 1 : i32
    %dma_wait3A_227 = arith.constant 1 : i32
    %dma_wait3A_228 = arith.constant 64 : i32
    %dma_wait3A_229 = arith.constant 0 : i32
    %dma_wait3A_230 = tpu.memref_slice %arg6[%dma_wait3A_227, %dma_wait3A_228, %dma_wait3A_229] : memref<2x192x128xf32, #tpu.memory_space<vmem>> -> memref<1x64x128xf32, #tpu.memory_space<vmem>>
    %dma_wait3A_231 = tpu.memref_squeeze %dma_wait3A_230 : memref<1x64x128xf32, #tpu.memory_space<vmem>> -> memref<64x128xf32, #tpu.memory_space<vmem>>
    %dma_wait3A_232 = arith.constant 0 : i32
    %dma_wait3A_233 = tpu.memref_slice %arg2[%dma_wait3A_226, %add3A_172, %dma_wait3A_232] : memref<3x8192x128xf32, #tpu.memory_space<hbm>> -> memref<1x64x128xf32, #tpu.memory_space<hbm>>
    %dma_wait3A_234 = tpu.memref_squeeze %dma_wait3A_233 : memref<1x64x128xf32, #tpu.memory_space<hbm>> -> memref<64x128xf32, #tpu.memory_space<hbm>>
    %dma_wait3A_235 = arith.constant 64 : i32
    %dma_wait3A_236 = arith.constant 0 : i32
    %dma_wait3A_237 = tpu.memref_slice %arg6[%dma_wait3A_227, %dma_wait3A_235, %dma_wait3A_236] : memref<2x192x128xf32, #tpu.memory_space<vmem>> -> memref<1x64x128xf32, #tpu.memory_space<vmem>>
    %dma_wait3A_238 = tpu.memref_squeeze %dma_wait3A_237 : memref<1x64x128xf32, #tpu.memory_space<vmem>> -> memref<64x128xf32, #tpu.memory_space<vmem>>
    %dma_wait3A_239 = arith.constant 0 : i32
    %dma_wait3A_240 = tpu.memref_slice %arg2[%dma_wait3A_226, %add3A_172, %dma_wait3A_239] : memref<3x8192x128xf32, #tpu.memory_space<hbm>> -> memref<1x64x128xf32, #tpu.memory_space<hbm>>
    %dma_wait3A_241 = tpu.memref_squeeze %dma_wait3A_240 : memref<1x64x128xf32, #tpu.memory_space<hbm>> -> memref<64x128xf32, #tpu.memory_space<hbm>>
    tpu.wait_dma2 semaphore(%arg12 : memref<!tpu.dma_semaphore, #tpu.memory_space<semaphore_mem>>) src(%dma_wait3A_241 : memref<64x128xf32, #tpu.memory_space<hbm>>) dst(%dma_wait3A_238 : memref<64x128xf32, #tpu.memory_space<vmem>>)
    %dma_wait3A_242 = arith.constant 2 : i32
    %dma_wait3A_243 = arith.constant 1 : i32
    %dma_wait3A_244 = arith.constant 128 : i32
    %dma_wait3A_245 = arith.constant 0 : i32
    %dma_wait3A_246 = tpu.memref_slice %arg6[%dma_wait3A_243, %dma_wait3A_244, %dma_wait3A_245] : memref<2x192x128xf32, #tpu.memory_space<vmem>> -> memref<1x64x128xf32, #tpu.memory_space<vmem>>
    %dma_wait3A_247 = tpu.memref_squeeze %dma_wait3A_246 : memref<1x64x128xf32, #tpu.memory_space<vmem>> -> memref<64x128xf32, #tpu.memory_space<vmem>>
    %dma_wait3A_248 = arith.constant 0 : i32
    %dma_wait3A_249 = tpu.memref_slice %arg2[%dma_wait3A_242, %add3A_190, %dma_wait3A_248] : memref<3x8192x128xf32, #tpu.memory_space<hbm>> -> memref<1x64x128xf32, #tpu.memory_space<hbm>>
    %dma_wait3A_250 = tpu.memref_squeeze %dma_wait3A_249 : memref<1x64x128xf32, #tpu.memory_space<hbm>> -> memref<64x128xf32, #tpu.memory_space<hbm>>
    %dma_wait3A_251 = arith.constant 128 : i32
    %dma_wait3A_252 = arith.constant 0 : i32
    %dma_wait3A_253 = tpu.memref_slice %arg6[%dma_wait3A_243, %dma_wait3A_251, %dma_wait3A_252] : memref<2x192x128xf32, #tpu.memory_space<vmem>> -> memref<1x64x128xf32, #tpu.memory_space<vmem>>
    %dma_wait3A_254 = tpu.memref_squeeze %dma_wait3A_253 : memref<1x64x128xf32, #tpu.memory_space<vmem>> -> memref<64x128xf32, #tpu.memory_space<vmem>>
    %dma_wait3A_255 = arith.constant 0 : i32
    %dma_wait3A_256 = tpu.memref_slice %arg2[%dma_wait3A_242, %add3A_190, %dma_wait3A_255] : memref<3x8192x128xf32, #tpu.memory_space<hbm>> -> memref<1x64x128xf32, #tpu.memory_space<hbm>>
    %dma_wait3A_257 = tpu.memref_squeeze %dma_wait3A_256 : memref<1x64x128xf32, #tpu.memory_space<hbm>> -> memref<64x128xf32, #tpu.memory_space<hbm>>
    tpu.wait_dma2 semaphore(%arg12 : memref<!tpu.dma_semaphore, #tpu.memory_space<semaphore_mem>>) src(%dma_wait3A_257 : memref<64x128xf32, #tpu.memory_space<hbm>>) dst(%dma_wait3A_254 : memref<64x128xf32, #tpu.memory_space<vmem>>)
    %add3A_258 = arith.constant 128 : i32
    %add3A_259 = arith.addi %mul3A_2, %add3A_258 : i32
    %dma_start3A_260 = arith.constant 0 : i32
    %dma_start3A_261 = arith.constant 0 : i32
    %dma_start3A_262 = arith.constant 0 : i32
    %dma_start3A_263 = arith.constant 0 : i32
    %dma_start3A_264 = tpu.memref_slice %arg6[%dma_start3A_261, %dma_start3A_262, %dma_start3A_263] : memref<2x192x128xf32, #tpu.memory_space<vmem>> -> memref<1x64x128xf32, #tpu.memory_space<vmem>>
    %dma_start3A_265 = tpu.memref_squeeze %dma_start3A_264 : memref<1x64x128xf32, #tpu.memory_space<vmem>> -> memref<64x128xf32, #tpu.memory_space<vmem>>
    %dma_start3A_266 = arith.constant 0 : i32
    %dma_start3A_267 = tpu.memref_slice %arg2[%dma_start3A_260, %add3A_259, %dma_start3A_266] : memref<3x8192x128xf32, #tpu.memory_space<hbm>> -> memref<1x64x128xf32, #tpu.memory_space<hbm>>
    %dma_start3A_268 = tpu.memref_squeeze %dma_start3A_267 : memref<1x64x128xf32, #tpu.memory_space<hbm>> -> memref<64x128xf32, #tpu.memory_space<hbm>>
    %dma_start3A_269 = arith.constant 0 : i32
    %dma_start3A_270 = arith.constant 0 : i32
    %dma_start3A_271 = tpu.memref_slice %arg6[%dma_start3A_261, %dma_start3A_269, %dma_start3A_270] : memref<2x192x128xf32, #tpu.memory_space<vmem>> -> memref<1x64x128xf32, #tpu.memory_space<vmem>>
    %dma_start3A_272 = tpu.memref_squeeze %dma_start3A_271 : memref<1x64x128xf32, #tpu.memory_space<vmem>> -> memref<64x128xf32, #tpu.memory_space<vmem>>
    %dma_start3A_273 = arith.constant 0 : i32
    %dma_start3A_274 = tpu.memref_slice %arg2[%dma_start3A_260, %add3A_259, %dma_start3A_273] : memref<3x8192x128xf32, #tpu.memory_space<hbm>> -> memref<1x64x128xf32, #tpu.memory_space<hbm>>
    %dma_start3A_275 = tpu.memref_squeeze %dma_start3A_274 : memref<1x64x128xf32, #tpu.memory_space<hbm>> -> memref<64x128xf32, #tpu.memory_space<hbm>>
    tpu.enqueue_dma source(%dma_start3A_275 : memref<64x128xf32, #tpu.memory_space<hbm>>) target(%dma_start3A_272 : memref<64x128xf32, #tpu.memory_space<vmem>>) target_semaphore(%arg11 : memref<!tpu.dma_semaphore, #tpu.memory_space<semaphore_mem>>)
    %add3A_276 = arith.constant 128 : i32
    %add3A_277 = arith.addi %mul3A_2, %add3A_276 : i32
    %dma_start3A_278 = arith.constant 1 : i32
    %dma_start3A_279 = arith.constant 0 : i32
    %dma_start3A_280 = arith.constant 64 : i32
    %dma_start3A_281 = arith.constant 0 : i32
    %dma_start3A_282 = tpu.memref_slice %arg6[%dma_start3A_279, %dma_start3A_280, %dma_start3A_281] : memref<2x192x128xf32, #tpu.memory_space<vmem>> -> memref<1x64x128xf32, #tpu.memory_space<vmem>>
    %dma_start3A_283 = tpu.memref_squeeze %dma_start3A_282 : memref<1x64x128xf32, #tpu.memory_space<vmem>> -> memref<64x128xf32, #tpu.memory_space<vmem>>
    %dma_start3A_284 = arith.constant 0 : i32
    %dma_start3A_285 = tpu.memref_slice %arg2[%dma_start3A_278, %add3A_277, %dma_start3A_284] : memref<3x8192x128xf32, #tpu.memory_space<hbm>> -> memref<1x64x128xf32, #tpu.memory_space<hbm>>
    %dma_start3A_286 = tpu.memref_squeeze %dma_start3A_285 : memref<1x64x128xf32, #tpu.memory_space<hbm>> -> memref<64x128xf32, #tpu.memory_space<hbm>>
    %dma_start3A_287 = arith.constant 64 : i32
    %dma_start3A_288 = arith.constant 0 : i32
    %dma_start3A_289 = tpu.memref_slice %arg6[%dma_start3A_279, %dma_start3A_287, %dma_start3A_288] : memref<2x192x128xf32, #tpu.memory_space<vmem>> -> memref<1x64x128xf32, #tpu.memory_space<vmem>>
    %dma_start3A_290 = tpu.memref_squeeze %dma_start3A_289 : memref<1x64x128xf32, #tpu.memory_space<vmem>> -> memref<64x128xf32, #tpu.memory_space<vmem>>
    %dma_start3A_291 = arith.constant 0 : i32
    %dma_start3A_292 = tpu.memref_slice %arg2[%dma_start3A_278, %add3A_277, %dma_start3A_291] : memref<3x8192x128xf32, #tpu.memory_space<hbm>> -> memref<1x64x128xf32, #tpu.memory_space<hbm>>
    %dma_start3A_293 = tpu.memref_squeeze %dma_start3A_292 : memref<1x64x128xf32, #tpu.memory_space<hbm>> -> memref<64x128xf32, #tpu.memory_space<hbm>>
    tpu.enqueue_dma source(%dma_start3A_293 : memref<64x128xf32, #tpu.memory_space<hbm>>) target(%dma_start3A_290 : memref<64x128xf32, #tpu.memory_space<vmem>>) target_semaphore(%arg11 : memref<!tpu.dma_semaphore, #tpu.memory_space<semaphore_mem>>)
    %add3A_294 = arith.constant 128 : i32
    %add3A_295 = arith.addi %mul3A_2, %add3A_294 : i32
    %dma_start3A_296 = arith.constant 2 : i32
    %dma_start3A_297 = arith.constant 0 : i32
    %dma_start3A_298 = arith.constant 128 : i32
    %dma_start3A_299 = arith.constant 0 : i32
    %dma_start3A_300 = tpu.memref_slice %arg6[%dma_start3A_297, %dma_start3A_298, %dma_start3A_299] : memref<2x192x128xf32, #tpu.memory_space<vmem>> -> memref<1x64x128xf32, #tpu.memory_space<vmem>>
    %dma_start3A_301 = tpu.memref_squeeze %dma_start3A_300 : memref<1x64x128xf32, #tpu.memory_space<vmem>> -> memref<64x128xf32, #tpu.memory_space<vmem>>
    %dma_start3A_302 = arith.constant 0 : i32
    %dma_start3A_303 = tpu.memref_slice %arg2[%dma_start3A_296, %add3A_295, %dma_start3A_302] : memref<3x8192x128xf32, #tpu.memory_space<hbm>> -> memref<1x64x128xf32, #tpu.memory_space<hbm>>
    %dma_start3A_304 = tpu.memref_squeeze %dma_start3A_303 : memref<1x64x128xf32, #tpu.memory_space<hbm>> -> memref<64x128xf32, #tpu.memory_space<hbm>>
    %dma_start3A_305 = arith.constant 128 : i32
    %dma_start3A_306 = arith.constant 0 : i32
    %dma_start3A_307 = tpu.memref_slice %arg6[%dma_start3A_297, %dma_start3A_305, %dma_start3A_306] : memref<2x192x128xf32, #tpu.memory_space<vmem>> -> memref<1x64x128xf32, #tpu.memory_space<vmem>>
    %dma_start3A_308 = tpu.memref_squeeze %dma_start3A_307 : memref<1x64x128xf32, #tpu.memory_space<vmem>> -> memref<64x128xf32, #tpu.memory_space<vmem>>
    %dma_start3A_309 = arith.constant 0 : i32
    %dma_start3A_310 = tpu.memref_slice %arg2[%dma_start3A_296, %add3A_295, %dma_start3A_309] : memref<3x8192x128xf32, #tpu.memory_space<hbm>> -> memref<1x64x128xf32, #tpu.memory_space<hbm>>
    %dma_start3A_311 = tpu.memref_squeeze %dma_start3A_310 : memref<1x64x128xf32, #tpu.memory_space<hbm>> -> memref<64x128xf32, #tpu.memory_space<hbm>>
    tpu.enqueue_dma source(%dma_start3A_311 : memref<64x128xf32, #tpu.memory_space<hbm>>) target(%dma_start3A_308 : memref<64x128xf32, #tpu.memory_space<vmem>>) target_semaphore(%arg11 : memref<!tpu.dma_semaphore, #tpu.memory_space<semaphore_mem>>)
    %parallel_loop3A_312 = arith.constant 0 : i32
    %parallel_loop3A_313 = arith.constant 512 : i32
    %parallel_loop3A_314 = arith.constant 1 : i32
    scf.for %parallel_loop3A_516 = %parallel_loop3A_312 to %parallel_loop3A_313 step %parallel_loop3A_314  : i32 {
      %parallel_loop3A_517 = arith.constant 7 : i32
      %parallel_loop3A_518 = arith.andi %parallel_loop3A_516, %parallel_loop3A_517 : i32
      %parallel_loop3A_519 = arith.constant 16 : i32
      %parallel_loop3A_520 = arith.muli %parallel_loop3A_518, %parallel_loop3A_519 : i32
      %parallel_loop3A_521 = arith.constant 3 : i32
      %parallel_loop3A_522 = arith.shrsi %parallel_loop3A_516, %parallel_loop3A_521 : i32
      %parallel_loop3A_523 = arith.constant 1 : i32
      %parallel_loop3A_524 = arith.index_cast %parallel_loop3A_523 : i32 to index
      %parallel_loop3A_525 = arith.index_cast %parallel_loop3A_522 : i32 to index
      %parallel_loop3A_526 = arith.index_cast %parallel_loop3A_520 : i32 to index
      %parallel_loop3A_527 = tpu.vector_load %arg6[%parallel_loop3A_524, %parallel_loop3A_525, %parallel_loop3A_526] {strides = array<i32>} : memref<2x192x128xf32, #tpu.memory_space<vmem>>, vector<16xf32>,
      %parallel_loop3A_528 = arith.constant 64 : i32
      %parallel_loop3A_529 = arith.addi %parallel_loop3A_528, %parallel_loop3A_522 : i32
      %parallel_loop3A_530 = arith.constant 1 : i32
      %parallel_loop3A_531 = arith.index_cast %parallel_loop3A_530 : i32 to index
      %parallel_loop3A_532 = arith.index_cast %parallel_loop3A_529 : i32 to index
      %parallel_loop3A_533 = arith.index_cast %parallel_loop3A_520 : i32 to index
      %parallel_loop3A_534 = tpu.vector_load %arg6[%parallel_loop3A_531, %parallel_loop3A_532, %parallel_loop3A_533] {strides = array<i32>} : memref<2x192x128xf32, #tpu.memory_space<vmem>>, vector<16xf32>,
      %parallel_loop3A_535 = arith.constant 128 : i32
      %parallel_loop3A_536 = arith.addi %parallel_loop3A_535, %parallel_loop3A_522 : i32
      %parallel_loop3A_537 = arith.constant 1 : i32
      %parallel_loop3A_538 = arith.index_cast %parallel_loop3A_537 : i32 to index
      %parallel_loop3A_539 = arith.index_cast %parallel_loop3A_536 : i32 to index
      %parallel_loop3A_540 = arith.index_cast %parallel_loop3A_520 : i32 to index
      %parallel_loop3A_541 = tpu.vector_load %arg6[%parallel_loop3A_538, %parallel_loop3A_539, %parallel_loop3A_540] {strides = array<i32>} : memref<2x192x128xf32, #tpu.memory_space<vmem>>, vector<16xf32>,
      %parallel_loop3A_542 = arith.constant 1.500000e+01 : f32
      %parallel_loop3A_543 = vector.broadcast %parallel_loop3A_542 : f32 to vector<16xf32>
      %parallel_loop3A_544 = arith.mulf %parallel_loop3A_527, %parallel_loop3A_543 : vector<16xf32>
      %parallel_loop3A_545 = arith.fptosi %parallel_loop3A_544 : vector<16xf32> to vector<16xi32>
      %parallel_loop3A_546 = arith.constant 1.500000e+01 : f32
      %parallel_loop3A_547 = vector.broadcast %parallel_loop3A_546 : f32 to vector<16xf32>
      %parallel_loop3A_548 = arith.mulf %parallel_loop3A_534, %parallel_loop3A_547 : vector<16xf32>
      %parallel_loop3A_549 = arith.fptosi %parallel_loop3A_548 : vector<16xf32> to vector<16xi32>
      %parallel_loop3A_550 = arith.constant 1.500000e+01 : f32
      %parallel_loop3A_551 = vector.broadcast %parallel_loop3A_550 : f32 to vector<16xf32>
      %parallel_loop3A_552 = arith.mulf %parallel_loop3A_541, %parallel_loop3A_551 : vector<16xf32>
      %parallel_loop3A_553 = arith.fptosi %parallel_loop3A_552 : vector<16xf32> to vector<16xi32>
      %parallel_loop3A_554 = arith.constant 256 : i32
      %parallel_loop3A_555 = vector.broadcast %parallel_loop3A_554 : i32 to vector<16xi32>
      %parallel_loop3A_556 = arith.muli %parallel_loop3A_545, %parallel_loop3A_555 : vector<16xi32>
      %parallel_loop3A_557 = arith.constant 16 : i32
      %parallel_loop3A_558 = vector.broadcast %parallel_loop3A_557 : i32 to vector<16xi32>
      %parallel_loop3A_559 = arith.muli %parallel_loop3A_549, %parallel_loop3A_558 : vector<16xi32>
      %parallel_loop3A_560 = arith.addi %parallel_loop3A_556, %parallel_loop3A_559 : vector<16xi32>
      %parallel_loop3A_561 = arith.addi %parallel_loop3A_560, %parallel_loop3A_553 : vector<16xi32>
      %parallel_loop3A_562 = arith.addi %parallel_loop3A_561, %mul3A_5 : vector<16xi32>
      tpu.vector_store_idx %arg8[%parallel_loop3A_562], %broadcast_in_dim3A_6 {add = true} : memref<65552xf32, #tpu.memory_space<vmem>>[vector<16xi32>], vector<16xf32>,
    } {sc.loop_unroll_factor = 8 : i64, sc.parallel_access}
    %dma_wait3A_315 = arith.constant 0 : i32
    %dma_wait3A_316 = arith.constant 0 : i32
    %dma_wait3A_317 = arith.constant 0 : i32
    %dma_wait3A_318 = arith.constant 0 : i32
    %dma_wait3A_319 = tpu.memref_slice %arg6[%dma_wait3A_316, %dma_wait3A_317, %dma_wait3A_318] : memref<2x192x128xf32, #tpu.memory_space<vmem>> -> memref<1x64x128xf32, #tpu.memory_space<vmem>>
    %dma_wait3A_320 = tpu.memref_squeeze %dma_wait3A_319 : memref<1x64x128xf32, #tpu.memory_space<vmem>> -> memref<64x128xf32, #tpu.memory_space<vmem>>
    %dma_wait3A_321 = arith.constant 0 : i32
    %dma_wait3A_322 = tpu.memref_slice %arg2[%dma_wait3A_315, %add3A_259, %dma_wait3A_321] : memref<3x8192x128xf32, #tpu.memory_space<hbm>> -> memref<1x64x128xf32, #tpu.memory_space<hbm>>
    %dma_wait3A_323 = tpu.memref_squeeze %dma_wait3A_322 : memref<1x64x128xf32, #tpu.memory_space<hbm>> -> memref<64x128xf32, #tpu.memory_space<hbm>>
    %dma_wait3A_324 = arith.constant 0 : i32
    %dma_wait3A_325 = arith.constant 0 : i32
    %dma_wait3A_326 = tpu.memref_slice %arg6[%dma_wait3A_316, %dma_wait3A_324, %dma_wait3A_325] : memref<2x192x128xf32, #tpu.memory_space<vmem>> -> memref<1x64x128xf32, #tpu.memory_space<vmem>>
    %dma_wait3A_327 = tpu.memref_squeeze %dma_wait3A_326 : memref<1x64x128xf32, #tpu.memory_space<vmem>> -> memref<64x128xf32, #tpu.memory_space<vmem>>
    %dma_wait3A_328 = arith.constant 0 : i32
    %dma_wait3A_329 = tpu.memref_slice %arg2[%dma_wait3A_315, %add3A_259, %dma_wait3A_328] : memref<3x8192x128xf32, #tpu.memory_space<hbm>> -> memref<1x64x128xf32, #tpu.memory_space<hbm>>
    %dma_wait3A_330 = tpu.memref_squeeze %dma_wait3A_329 : memref<1x64x128xf32, #tpu.memory_space<hbm>> -> memref<64x128xf32, #tpu.memory_space<hbm>>
    tpu.wait_dma2 semaphore(%arg11 : memref<!tpu.dma_semaphore, #tpu.memory_space<semaphore_mem>>) src(%dma_wait3A_330 : memref<64x128xf32, #tpu.memory_space<hbm>>) dst(%dma_wait3A_327 : memref<64x128xf32, #tpu.memory_space<vmem>>)
    %dma_wait3A_331 = arith.constant 1 : i32
    %dma_wait3A_332 = arith.constant 0 : i32
    %dma_wait3A_333 = arith.constant 64 : i32
    %dma_wait3A_334 = arith.constant 0 : i32
    %dma_wait3A_335 = tpu.memref_slice %arg6[%dma_wait3A_332, %dma_wait3A_333, %dma_wait3A_334] : memref<2x192x128xf32, #tpu.memory_space<vmem>> -> memref<1x64x128xf32, #tpu.memory_space<vmem>>
    %dma_wait3A_336 = tpu.memref_squeeze %dma_wait3A_335 : memref<1x64x128xf32, #tpu.memory_space<vmem>> -> memref<64x128xf32, #tpu.memory_space<vmem>>
    %dma_wait3A_337 = arith.constant 0 : i32
    %dma_wait3A_338 = tpu.memref_slice %arg2[%dma_wait3A_331, %add3A_277, %dma_wait3A_337] : memref<3x8192x128xf32, #tpu.memory_space<hbm>> -> memref<1x64x128xf32, #tpu.memory_space<hbm>>
    %dma_wait3A_339 = tpu.memref_squeeze %dma_wait3A_338 : memref<1x64x128xf32, #tpu.memory_space<hbm>> -> memref<64x128xf32, #tpu.memory_space<hbm>>
    %dma_wait3A_340 = arith.constant 64 : i32
    %dma_wait3A_341 = arith.constant 0 : i32
    %dma_wait3A_342 = tpu.memref_slice %arg6[%dma_wait3A_332, %dma_wait3A_340, %dma_wait3A_341] : memref<2x192x128xf32, #tpu.memory_space<vmem>> -> memref<1x64x128xf32, #tpu.memory_space<vmem>>
    %dma_wait3A_343 = tpu.memref_squeeze %dma_wait3A_342 : memref<1x64x128xf32, #tpu.memory_space<vmem>> -> memref<64x128xf32, #tpu.memory_space<vmem>>
    %dma_wait3A_344 = arith.constant 0 : i32
    %dma_wait3A_345 = tpu.memref_slice %arg2[%dma_wait3A_331, %add3A_277, %dma_wait3A_344] : memref<3x8192x128xf32, #tpu.memory_space<hbm>> -> memref<1x64x128xf32, #tpu.memory_space<hbm>>
    %dma_wait3A_346 = tpu.memref_squeeze %dma_wait3A_345 : memref<1x64x128xf32, #tpu.memory_space<hbm>> -> memref<64x128xf32, #tpu.memory_space<hbm>>
    tpu.wait_dma2 semaphore(%arg11 : memref<!tpu.dma_semaphore, #tpu.memory_space<semaphore_mem>>) src(%dma_wait3A_346 : memref<64x128xf32, #tpu.memory_space<hbm>>) dst(%dma_wait3A_343 : memref<64x128xf32, #tpu.memory_space<vmem>>)
    %dma_wait3A_347 = arith.constant 2 : i32
    %dma_wait3A_348 = arith.constant 0 : i32
    %dma_wait3A_349 = arith.constant 128 : i32
    %dma_wait3A_350 = arith.constant 0 : i32
    %dma_wait3A_351 = tpu.memref_slice %arg6[%dma_wait3A_348, %dma_wait3A_349, %dma_wait3A_350] : memref<2x192x128xf32, #tpu.memory_space<vmem>> -> memref<1x64x128xf32, #tpu.memory_space<vmem>>
    %dma_wait3A_352 = tpu.memref_squeeze %dma_wait3A_351 : memref<1x64x128xf32, #tpu.memory_space<vmem>> -> memref<64x128xf32, #tpu.memory_space<vmem>>
    %dma_wait3A_353 = arith.constant 0 : i32
    %dma_wait3A_354 = tpu.memref_slice %arg2[%dma_wait3A_347, %add3A_295, %dma_wait3A_353] : memref<3x8192x128xf32, #tpu.memory_space<hbm>> -> memref<1x64x128xf32, #tpu.memory_space<hbm>>
    %dma_wait3A_355 = tpu.memref_squeeze %dma_wait3A_354 : memref<1x64x128xf32, #tpu.memory_space<hbm>> -> memref<64x128xf32, #tpu.memory_space<hbm>>
    %dma_wait3A_356 = arith.constant 128 : i32
    %dma_wait3A_357 = arith.constant 0 : i32
    %dma_wait3A_358 = tpu.memref_slice %arg6[%dma_wait3A_348, %dma_wait3A_356, %dma_wait3A_357] : memref<2x192x128xf32, #tpu.memory_space<vmem>> -> memref<1x64x128xf32, #tpu.memory_space<vmem>>
    %dma_wait3A_359 = tpu.memref_squeeze %dma_wait3A_358 : memref<1x64x128xf32, #tpu.memory_space<vmem>> -> memref<64x128xf32, #tpu.memory_space<vmem>>
    %dma_wait3A_360 = arith.constant 0 : i32
    %dma_wait3A_361 = tpu.memref_slice %arg2[%dma_wait3A_347, %add3A_295, %dma_wait3A_360] : memref<3x8192x128xf32, #tpu.memory_space<hbm>> -> memref<1x64x128xf32, #tpu.memory_space<hbm>>
    %dma_wait3A_362 = tpu.memref_squeeze %dma_wait3A_361 : memref<1x64x128xf32, #tpu.memory_space<hbm>> -> memref<64x128xf32, #tpu.memory_space<hbm>>
    tpu.wait_dma2 semaphore(%arg11 : memref<!tpu.dma_semaphore, #tpu.memory_space<semaphore_mem>>) src(%dma_wait3A_362 : memref<64x128xf32, #tpu.memory_space<hbm>>) dst(%dma_wait3A_359 : memref<64x128xf32, #tpu.memory_space<vmem>>)
    %add3A_363 = arith.constant 192 : i32
    %add3A_364 = arith.addi %mul3A_2, %add3A_363 : i32
    %dma_start3A_365 = arith.constant 0 : i32
    %dma_start3A_366 = arith.constant 1 : i32
    %dma_start3A_367 = arith.constant 0 : i32
    %dma_start3A_368 = arith.constant 0 : i32
    %dma_start3A_369 = tpu.memref_slice %arg6[%dma_start3A_366, %dma_start3A_367, %dma_start3A_368] : memref<2x192x128xf32, #tpu.memory_space<vmem>> -> memref<1x64x128xf32, #tpu.memory_space<vmem>>
    %dma_start3A_370 = tpu.memref_squeeze %dma_start3A_369 : memref<1x64x128xf32, #tpu.memory_space<vmem>> -> memref<64x128xf32, #tpu.memory_space<vmem>>
    %dma_start3A_371 = arith.constant 0 : i32
    %dma_start3A_372 = tpu.memref_slice %arg2[%dma_start3A_365, %add3A_364, %dma_start3A_371] : memref<3x8192x128xf32, #tpu.memory_space<hbm>> -> memref<1x64x128xf32, #tpu.memory_space<hbm>>
    %dma_start3A_373 = tpu.memref_squeeze %dma_start3A_372 : memref<1x64x128xf32, #tpu.memory_space<hbm>> -> memref<64x128xf32, #tpu.memory_space<hbm>>
    %dma_start3A_374 = arith.constant 0 : i32
    %dma_start3A_375 = arith.constant 0 : i32
    %dma_start3A_376 = tpu.memref_slice %arg6[%dma_start3A_366, %dma_start3A_374, %dma_start3A_375] : memref<2x192x128xf32, #tpu.memory_space<vmem>> -> memref<1x64x128xf32, #tpu.memory_space<vmem>>
    %dma_start3A_377 = tpu.memref_squeeze %dma_start3A_376 : memref<1x64x128xf32, #tpu.memory_space<vmem>> -> memref<64x128xf32, #tpu.memory_space<vmem>>
    %dma_start3A_378 = arith.constant 0 : i32
    %dma_start3A_379 = tpu.memref_slice %arg2[%dma_start3A_365, %add3A_364, %dma_start3A_378] : memref<3x8192x128xf32, #tpu.memory_space<hbm>> -> memref<1x64x128xf32, #tpu.memory_space<hbm>>
    %dma_start3A_380 = tpu.memref_squeeze %dma_start3A_379 : memref<1x64x128xf32, #tpu.memory_space<hbm>> -> memref<64x128xf32, #tpu.memory_space<hbm>>
    tpu.enqueue_dma source(%dma_start3A_380 : memref<64x128xf32, #tpu.memory_space<hbm>>) target(%dma_start3A_377 : memref<64x128xf32, #tpu.memory_space<vmem>>) target_semaphore(%arg12 : memref<!tpu.dma_semaphore, #tpu.memory_space<semaphore_mem>>)
    %add3A_381 = arith.constant 192 : i32
    %add3A_382 = arith.addi %mul3A_2, %add3A_381 : i32
    %dma_start3A_383 = arith.constant 1 : i32
    %dma_start3A_384 = arith.constant 1 : i32
    %dma_start3A_385 = arith.constant 64 : i32
    %dma_start3A_386 = arith.constant 0 : i32
    %dma_start3A_387 = tpu.memref_slice %arg6[%dma_start3A_384, %dma_start3A_385, %dma_start3A_386] : memref<2x192x128xf32, #tpu.memory_space<vmem>> -> memref<1x64x128xf32, #tpu.memory_space<vmem>>
    %dma_start3A_388 = tpu.memref_squeeze %dma_start3A_387 : memref<1x64x128xf32, #tpu.memory_space<vmem>> -> memref<64x128xf32, #tpu.memory_space<vmem>>
    %dma_start3A_389 = arith.constant 0 : i32
    %dma_start3A_390 = tpu.memref_slice %arg2[%dma_start3A_383, %add3A_382, %dma_start3A_389] : memref<3x8192x128xf32, #tpu.memory_space<hbm>> -> memref<1x64x128xf32, #tpu.memory_space<hbm>>
    %dma_start3A_391 = tpu.memref_squeeze %dma_start3A_390 : memref<1x64x128xf32, #tpu.memory_space<hbm>> -> memref<64x128xf32, #tpu.memory_space<hbm>>
    %dma_start3A_392 = arith.constant 64 : i32
    %dma_start3A_393 = arith.constant 0 : i32
    %dma_start3A_394 = tpu.memref_slice %arg6[%dma_start3A_384, %dma_start3A_392, %dma_start3A_393] : memref<2x192x128xf32, #tpu.memory_space<vmem>> -> memref<1x64x128xf32, #tpu.memory_space<vmem>>
    %dma_start3A_395 = tpu.memref_squeeze %dma_start3A_394 : memref<1x64x128xf32, #tpu.memory_space<vmem>> -> memref<64x128xf32, #tpu.memory_space<vmem>>
    %dma_start3A_396 = arith.constant 0 : i32
    %dma_start3A_397 = tpu.memref_slice %arg2[%dma_start3A_383, %add3A_382, %dma_start3A_396] : memref<3x8192x128xf32, #tpu.memory_space<hbm>> -> memref<1x64x128xf32, #tpu.memory_space<hbm>>
    %dma_start3A_398 = tpu.memref_squeeze %dma_start3A_397 : memref<1x64x128xf32, #tpu.memory_space<hbm>> -> memref<64x128xf32, #tpu.memory_space<hbm>>
    tpu.enqueue_dma source(%dma_start3A_398 : memref<64x128xf32, #tpu.memory_space<hbm>>) target(%dma_start3A_395 : memref<64x128xf32, #tpu.memory_space<vmem>>) target_semaphore(%arg12 : memref<!tpu.dma_semaphore, #tpu.memory_space<semaphore_mem>>)
    %add3A_399 = arith.constant 192 : i32
    %add3A_400 = arith.addi %mul3A_2, %add3A_399 : i32
    %dma_start3A_401 = arith.constant 2 : i32
    %dma_start3A_402 = arith.constant 1 : i32
    %dma_start3A_403 = arith.constant 128 : i32
    %dma_start3A_404 = arith.constant 0 : i32
    %dma_start3A_405 = tpu.memref_slice %arg6[%dma_start3A_402, %dma_start3A_403, %dma_start3A_404] : memref<2x192x128xf32, #tpu.memory_space<vmem>> -> memref<1x64x128xf32, #tpu.memory_space<vmem>>
    %dma_start3A_406 = tpu.memref_squeeze %dma_start3A_405 : memref<1x64x128xf32, #tpu.memory_space<vmem>> -> memref<64x128xf32, #tpu.memory_space<vmem>>
    %dma_start3A_407 = arith.constant 0 : i32
    %dma_start3A_408 = tpu.memref_slice %arg2[%dma_start3A_401, %add3A_400, %dma_start3A_407] : memref<3x8192x128xf32, #tpu.memory_space<hbm>> -> memref<1x64x128xf32, #tpu.memory_space<hbm>>
    %dma_start3A_409 = tpu.memref_squeeze %dma_start3A_408 : memref<1x64x128xf32, #tpu.memory_space<hbm>> -> memref<64x128xf32, #tpu.memory_space<hbm>>
    %dma_start3A_410 = arith.constant 128 : i32
    %dma_start3A_411 = arith.constant 0 : i32
    %dma_start3A_412 = tpu.memref_slice %arg6[%dma_start3A_402, %dma_start3A_410, %dma_start3A_411] : memref<2x192x128xf32, #tpu.memory_space<vmem>> -> memref<1x64x128xf32, #tpu.memory_space<vmem>>
    %dma_start3A_413 = tpu.memref_squeeze %dma_start3A_412 : memref<1x64x128xf32, #tpu.memory_space<vmem>> -> memref<64x128xf32, #tpu.memory_space<vmem>>
    %dma_start3A_414 = arith.constant 0 : i32
    %dma_start3A_415 = tpu.memref_slice %arg2[%dma_start3A_401, %add3A_400, %dma_start3A_414] : memref<3x8192x128xf32, #tpu.memory_space<hbm>> -> memref<1x64x128xf32, #tpu.memory_space<hbm>>
    %dma_start3A_416 = tpu.memref_squeeze %dma_start3A_415 : memref<1x64x128xf32, #tpu.memory_space<hbm>> -> memref<64x128xf32, #tpu.memory_space<hbm>>
    tpu.enqueue_dma source(%dma_start3A_416 : memref<64x128xf32, #tpu.memory_space<hbm>>) target(%dma_start3A_413 : memref<64x128xf32, #tpu.memory_space<vmem>>) target_semaphore(%arg12 : memref<!tpu.dma_semaphore, #tpu.memory_space<semaphore_mem>>)
    %parallel_loop3A_417 = arith.constant 0 : i32
    %parallel_loop3A_418 = arith.constant 512 : i32
    %parallel_loop3A_419 = arith.constant 1 : i32
    scf.for %parallel_loop3A_516 = %parallel_loop3A_417 to %parallel_loop3A_418 step %parallel_loop3A_419  : i32 {
      %parallel_loop3A_517 = arith.constant 7 : i32
      %parallel_loop3A_518 = arith.andi %parallel_loop3A_516, %parallel_loop3A_517 : i32
      %parallel_loop3A_519 = arith.constant 16 : i32
      %parallel_loop3A_520 = arith.muli %parallel_loop3A_518, %parallel_loop3A_519 : i32
      %parallel_loop3A_521 = arith.constant 3 : i32
      %parallel_loop3A_522 = arith.shrsi %parallel_loop3A_516, %parallel_loop3A_521 : i32
      %parallel_loop3A_523 = arith.constant 0 : i32
      %parallel_loop3A_524 = arith.index_cast %parallel_loop3A_523 : i32 to index
      %parallel_loop3A_525 = arith.index_cast %parallel_loop3A_522 : i32 to index
      %parallel_loop3A_526 = arith.index_cast %parallel_loop3A_520 : i32 to index
      %parallel_loop3A_527 = tpu.vector_load %arg6[%parallel_loop3A_524, %parallel_loop3A_525, %parallel_loop3A_526] {strides = array<i32>} : memref<2x192x128xf32, #tpu.memory_space<vmem>>, vector<16xf32>,
      %parallel_loop3A_528 = arith.constant 64 : i32
      %parallel_loop3A_529 = arith.addi %parallel_loop3A_528, %parallel_loop3A_522 : i32
      %parallel_loop3A_530 = arith.constant 0 : i32
      %parallel_loop3A_531 = arith.index_cast %parallel_loop3A_530 : i32 to index
      %parallel_loop3A_532 = arith.index_cast %parallel_loop3A_529 : i32 to index
      %parallel_loop3A_533 = arith.index_cast %parallel_loop3A_520 : i32 to index
      %parallel_loop3A_534 = tpu.vector_load %arg6[%parallel_loop3A_531, %parallel_loop3A_532, %parallel_loop3A_533] {strides = array<i32>} : memref<2x192x128xf32, #tpu.memory_space<vmem>>, vector<16xf32>,
      %parallel_loop3A_535 = arith.constant 128 : i32
      %parallel_loop3A_536 = arith.addi %parallel_loop3A_535, %parallel_loop3A_522 : i32
      %parallel_loop3A_537 = arith.constant 0 : i32
      %parallel_loop3A_538 = arith.index_cast %parallel_loop3A_537 : i32 to index
      %parallel_loop3A_539 = arith.index_cast %parallel_loop3A_536 : i32 to index
      %parallel_loop3A_540 = arith.index_cast %parallel_loop3A_520 : i32 to index
      %parallel_loop3A_541 = tpu.vector_load %arg6[%parallel_loop3A_538, %parallel_loop3A_539, %parallel_loop3A_540] {strides = array<i32>} : memref<2x192x128xf32, #tpu.memory_space<vmem>>, vector<16xf32>,
      %parallel_loop3A_542 = arith.constant 1.500000e+01 : f32
      %parallel_loop3A_543 = vector.broadcast %parallel_loop3A_542 : f32 to vector<16xf32>
      %parallel_loop3A_544 = arith.mulf %parallel_loop3A_527, %parallel_loop3A_543 : vector<16xf32>
      %parallel_loop3A_545 = arith.fptosi %parallel_loop3A_544 : vector<16xf32> to vector<16xi32>
      %parallel_loop3A_546 = arith.constant 1.500000e+01 : f32
      %parallel_loop3A_547 = vector.broadcast %parallel_loop3A_546 : f32 to vector<16xf32>
      %parallel_loop3A_548 = arith.mulf %parallel_loop3A_534, %parallel_loop3A_547 : vector<16xf32>
      %parallel_loop3A_549 = arith.fptosi %parallel_loop3A_548 : vector<16xf32> to vector<16xi32>
      %parallel_loop3A_550 = arith.constant 1.500000e+01 : f32
      %parallel_loop3A_551 = vector.broadcast %parallel_loop3A_550 : f32 to vector<16xf32>
      %parallel_loop3A_552 = arith.mulf %parallel_loop3A_541, %parallel_loop3A_551 : vector<16xf32>
      %parallel_loop3A_553 = arith.fptosi %parallel_loop3A_552 : vector<16xf32> to vector<16xi32>
      %parallel_loop3A_554 = arith.constant 256 : i32
      %parallel_loop3A_555 = vector.broadcast %parallel_loop3A_554 : i32 to vector<16xi32>
      %parallel_loop3A_556 = arith.muli %parallel_loop3A_545, %parallel_loop3A_555 : vector<16xi32>
      %parallel_loop3A_557 = arith.constant 16 : i32
      %parallel_loop3A_558 = vector.broadcast %parallel_loop3A_557 : i32 to vector<16xi32>
      %parallel_loop3A_559 = arith.muli %parallel_loop3A_549, %parallel_loop3A_558 : vector<16xi32>
      %parallel_loop3A_560 = arith.addi %parallel_loop3A_556, %parallel_loop3A_559 : vector<16xi32>
      %parallel_loop3A_561 = arith.addi %parallel_loop3A_560, %parallel_loop3A_553 : vector<16xi32>
      %parallel_loop3A_562 = arith.addi %parallel_loop3A_561, %mul3A_5 : vector<16xi32>
      tpu.vector_store_idx %arg8[%parallel_loop3A_562], %broadcast_in_dim3A_6 {add = true} : memref<65552xf32, #tpu.memory_space<vmem>>[vector<16xi32>], vector<16xf32>,
    } {sc.loop_unroll_factor = 8 : i64, sc.parallel_access}
    %dma_wait3A_420 = arith.constant 0 : i32
    %dma_wait3A_421 = arith.constant 1 : i32
    %dma_wait3A_422 = arith.constant 0 : i32
    %dma_wait3A_423 = arith.constant 0 : i32
    %dma_wait3A_424 = tpu.memref_slice %arg6[%dma_wait3A_421, %dma_wait3A_422, %dma_wait3A_423] : memref<2x192x128xf32, #tpu.memory_space<vmem>> -> memref<1x64x128xf32, #tpu.memory_space<vmem>>
    %dma_wait3A_425 = tpu.memref_squeeze %dma_wait3A_424 : memref<1x64x128xf32, #tpu.memory_space<vmem>> -> memref<64x128xf32, #tpu.memory_space<vmem>>
    %dma_wait3A_426 = arith.constant 0 : i32
    %dma_wait3A_427 = tpu.memref_slice %arg2[%dma_wait3A_420, %add3A_364, %dma_wait3A_426] : memref<3x8192x128xf32, #tpu.memory_space<hbm>> -> memref<1x64x128xf32, #tpu.memory_space<hbm>>
    %dma_wait3A_428 = tpu.memref_squeeze %dma_wait3A_427 : memref<1x64x128xf32, #tpu.memory_space<hbm>> -> memref<64x128xf32, #tpu.memory_space<hbm>>
    %dma_wait3A_429 = arith.constant 0 : i32
    %dma_wait3A_430 = arith.constant 0 : i32
    %dma_wait3A_431 = tpu.memref_slice %arg6[%dma_wait3A_421, %dma_wait3A_429, %dma_wait3A_430] : memref<2x192x128xf32, #tpu.memory_space<vmem>> -> memref<1x64x128xf32, #tpu.memory_space<vmem>>
    %dma_wait3A_432 = tpu.memref_squeeze %dma_wait3A_431 : memref<1x64x128xf32, #tpu.memory_space<vmem>> -> memref<64x128xf32, #tpu.memory_space<vmem>>
    %dma_wait3A_433 = arith.constant 0 : i32
    %dma_wait3A_434 = tpu.memref_slice %arg2[%dma_wait3A_420, %add3A_364, %dma_wait3A_433] : memref<3x8192x128xf32, #tpu.memory_space<hbm>> -> memref<1x64x128xf32, #tpu.memory_space<hbm>>
    %dma_wait3A_435 = tpu.memref_squeeze %dma_wait3A_434 : memref<1x64x128xf32, #tpu.memory_space<hbm>> -> memref<64x128xf32, #tpu.memory_space<hbm>>
    tpu.wait_dma2 semaphore(%arg12 : memref<!tpu.dma_semaphore, #tpu.memory_space<semaphore_mem>>) src(%dma_wait3A_435 : memref<64x128xf32, #tpu.memory_space<hbm>>) dst(%dma_wait3A_432 : memref<64x128xf32, #tpu.memory_space<vmem>>)
    %dma_wait3A_436 = arith.constant 1 : i32
    %dma_wait3A_437 = arith.constant 1 : i32
    %dma_wait3A_438 = arith.constant 64 : i32
    %dma_wait3A_439 = arith.constant 0 : i32
    %dma_wait3A_440 = tpu.memref_slice %arg6[%dma_wait3A_437, %dma_wait3A_438, %dma_wait3A_439] : memref<2x192x128xf32, #tpu.memory_space<vmem>> -> memref<1x64x128xf32, #tpu.memory_space<vmem>>
    %dma_wait3A_441 = tpu.memref_squeeze %dma_wait3A_440 : memref<1x64x128xf32, #tpu.memory_space<vmem>> -> memref<64x128xf32, #tpu.memory_space<vmem>>
    %dma_wait3A_442 = arith.constant 0 : i32
    %dma_wait3A_443 = tpu.memref_slice %arg2[%dma_wait3A_436, %add3A_382, %dma_wait3A_442] : memref<3x8192x128xf32, #tpu.memory_space<hbm>> -> memref<1x64x128xf32, #tpu.memory_space<hbm>>
    %dma_wait3A_444 = tpu.memref_squeeze %dma_wait3A_443 : memref<1x64x128xf32, #tpu.memory_space<hbm>> -> memref<64x128xf32, #tpu.memory_space<hbm>>
    %dma_wait3A_445 = arith.constant 64 : i32
    %dma_wait3A_446 = arith.constant 0 : i32
    %dma_wait3A_447 = tpu.memref_slice %arg6[%dma_wait3A_437, %dma_wait3A_445, %dma_wait3A_446] : memref<2x192x128xf32, #tpu.memory_space<vmem>> -> memref<1x64x128xf32, #tpu.memory_space<vmem>>
    %dma_wait3A_448 = tpu.memref_squeeze %dma_wait3A_447 : memref<1x64x128xf32, #tpu.memory_space<vmem>> -> memref<64x128xf32, #tpu.memory_space<vmem>>
    %dma_wait3A_449 = arith.constant 0 : i32
    %dma_wait3A_450 = tpu.memref_slice %arg2[%dma_wait3A_436, %add3A_382, %dma_wait3A_449] : memref<3x8192x128xf32, #tpu.memory_space<hbm>> -> memref<1x64x128xf32, #tpu.memory_space<hbm>>
    %dma_wait3A_451 = tpu.memref_squeeze %dma_wait3A_450 : memref<1x64x128xf32, #tpu.memory_space<hbm>> -> memref<64x128xf32, #tpu.memory_space<hbm>>
    tpu.wait_dma2 semaphore(%arg12 : memref<!tpu.dma_semaphore, #tpu.memory_space<semaphore_mem>>) src(%dma_wait3A_451 : memref<64x128xf32, #tpu.memory_space<hbm>>) dst(%dma_wait3A_448 : memref<64x128xf32, #tpu.memory_space<vmem>>)
    %dma_wait3A_452 = arith.constant 2 : i32
    %dma_wait3A_453 = arith.constant 1 : i32
    %dma_wait3A_454 = arith.constant 128 : i32
    %dma_wait3A_455 = arith.constant 0 : i32
    %dma_wait3A_456 = tpu.memref_slice %arg6[%dma_wait3A_453, %dma_wait3A_454, %dma_wait3A_455] : memref<2x192x128xf32, #tpu.memory_space<vmem>> -> memref<1x64x128xf32, #tpu.memory_space<vmem>>
    %dma_wait3A_457 = tpu.memref_squeeze %dma_wait3A_456 : memref<1x64x128xf32, #tpu.memory_space<vmem>> -> memref<64x128xf32, #tpu.memory_space<vmem>>
    %dma_wait3A_458 = arith.constant 0 : i32
    %dma_wait3A_459 = tpu.memref_slice %arg2[%dma_wait3A_452, %add3A_400, %dma_wait3A_458] : memref<3x8192x128xf32, #tpu.memory_space<hbm>> -> memref<1x64x128xf32, #tpu.memory_space<hbm>>
    %dma_wait3A_460 = tpu.memref_squeeze %dma_wait3A_459 : memref<1x64x128xf32, #tpu.memory_space<hbm>> -> memref<64x128xf32, #tpu.memory_space<hbm>>
    %dma_wait3A_461 = arith.constant 128 : i32
    %dma_wait3A_462 = arith.constant 0 : i32
    %dma_wait3A_463 = tpu.memref_slice %arg6[%dma_wait3A_453, %dma_wait3A_461, %dma_wait3A_462] : memref<2x192x128xf32, #tpu.memory_space<vmem>> -> memref<1x64x128xf32, #tpu.memory_space<vmem>>
    %dma_wait3A_464 = tpu.memref_squeeze %dma_wait3A_463 : memref<1x64x128xf32, #tpu.memory_space<vmem>> -> memref<64x128xf32, #tpu.memory_space<vmem>>
    %dma_wait3A_465 = arith.constant 0 : i32
    %dma_wait3A_466 = tpu.memref_slice %arg2[%dma_wait3A_452, %add3A_400, %dma_wait3A_465] : memref<3x8192x128xf32, #tpu.memory_space<hbm>> -> memref<1x64x128xf32, #tpu.memory_space<hbm>>
    %dma_wait3A_467 = tpu.memref_squeeze %dma_wait3A_466 : memref<1x64x128xf32, #tpu.memory_space<hbm>> -> memref<64x128xf32, #tpu.memory_space<hbm>>
    tpu.wait_dma2 semaphore(%arg12 : memref<!tpu.dma_semaphore, #tpu.memory_space<semaphore_mem>>) src(%dma_wait3A_467 : memref<64x128xf32, #tpu.memory_space<hbm>>) dst(%dma_wait3A_464 : memref<64x128xf32, #tpu.memory_space<vmem>>)
    %parallel_loop3A_468 = arith.constant 0 : i32
    %parallel_loop3A_469 = arith.constant 512 : i32
    %parallel_loop3A_470 = arith.constant 1 : i32
    scf.for %parallel_loop3A_516 = %parallel_loop3A_468 to %parallel_loop3A_469 step %parallel_loop3A_470  : i32 {
      %parallel_loop3A_517 = arith.constant 7 : i32
      %parallel_loop3A_518 = arith.andi %parallel_loop3A_516, %parallel_loop3A_517 : i32
      %parallel_loop3A_519 = arith.constant 16 : i32
      %parallel_loop3A_520 = arith.muli %parallel_loop3A_518, %parallel_loop3A_519 : i32
      %parallel_loop3A_521 = arith.constant 3 : i32
      %parallel_loop3A_522 = arith.shrsi %parallel_loop3A_516, %parallel_loop3A_521 : i32
      %parallel_loop3A_523 = arith.constant 1 : i32
      %parallel_loop3A_524 = arith.index_cast %parallel_loop3A_523 : i32 to index
      %parallel_loop3A_525 = arith.index_cast %parallel_loop3A_522 : i32 to index
      %parallel_loop3A_526 = arith.index_cast %parallel_loop3A_520 : i32 to index
      %parallel_loop3A_527 = tpu.vector_load %arg6[%parallel_loop3A_524, %parallel_loop3A_525, %parallel_loop3A_526] {strides = array<i32>} : memref<2x192x128xf32, #tpu.memory_space<vmem>>, vector<16xf32>,
      %parallel_loop3A_528 = arith.constant 64 : i32
      %parallel_loop3A_529 = arith.addi %parallel_loop3A_528, %parallel_loop3A_522 : i32
      %parallel_loop3A_530 = arith.constant 1 : i32
      %parallel_loop3A_531 = arith.index_cast %parallel_loop3A_530 : i32 to index
      %parallel_loop3A_532 = arith.index_cast %parallel_loop3A_529 : i32 to index
      %parallel_loop3A_533 = arith.index_cast %parallel_loop3A_520 : i32 to index
      %parallel_loop3A_534 = tpu.vector_load %arg6[%parallel_loop3A_531, %parallel_loop3A_532, %parallel_loop3A_533] {strides = array<i32>} : memref<2x192x128xf32, #tpu.memory_space<vmem>>, vector<16xf32>,
      %parallel_loop3A_535 = arith.constant 128 : i32
      %parallel_loop3A_536 = arith.addi %parallel_loop3A_535, %parallel_loop3A_522 : i32
      %parallel_loop3A_537 = arith.constant 1 : i32
      %parallel_loop3A_538 = arith.index_cast %parallel_loop3A_537 : i32 to index
      %parallel_loop3A_539 = arith.index_cast %parallel_loop3A_536 : i32 to index
      %parallel_loop3A_540 = arith.index_cast %parallel_loop3A_520 : i32 to index
      %parallel_loop3A_541 = tpu.vector_load %arg6[%parallel_loop3A_538, %parallel_loop3A_539, %parallel_loop3A_540] {strides = array<i32>} : memref<2x192x128xf32, #tpu.memory_space<vmem>>, vector<16xf32>,
      %parallel_loop3A_542 = arith.constant 1.500000e+01 : f32
      %parallel_loop3A_543 = vector.broadcast %parallel_loop3A_542 : f32 to vector<16xf32>
      %parallel_loop3A_544 = arith.mulf %parallel_loop3A_527, %parallel_loop3A_543 : vector<16xf32>
      %parallel_loop3A_545 = arith.fptosi %parallel_loop3A_544 : vector<16xf32> to vector<16xi32>
      %parallel_loop3A_546 = arith.constant 1.500000e+01 : f32
      %parallel_loop3A_547 = vector.broadcast %parallel_loop3A_546 : f32 to vector<16xf32>
      %parallel_loop3A_548 = arith.mulf %parallel_loop3A_534, %parallel_loop3A_547 : vector<16xf32>
      %parallel_loop3A_549 = arith.fptosi %parallel_loop3A_548 : vector<16xf32> to vector<16xi32>
      %parallel_loop3A_550 = arith.constant 1.500000e+01 : f32
      %parallel_loop3A_551 = vector.broadcast %parallel_loop3A_550 : f32 to vector<16xf32>
      %parallel_loop3A_552 = arith.mulf %parallel_loop3A_541, %parallel_loop3A_551 : vector<16xf32>
      %parallel_loop3A_553 = arith.fptosi %parallel_loop3A_552 : vector<16xf32> to vector<16xi32>
      %parallel_loop3A_554 = arith.constant 256 : i32
      %parallel_loop3A_555 = vector.broadcast %parallel_loop3A_554 : i32 to vector<16xi32>
      %parallel_loop3A_556 = arith.muli %parallel_loop3A_545, %parallel_loop3A_555 : vector<16xi32>
      %parallel_loop3A_557 = arith.constant 16 : i32
      %parallel_loop3A_558 = vector.broadcast %parallel_loop3A_557 : i32 to vector<16xi32>
      %parallel_loop3A_559 = arith.muli %parallel_loop3A_549, %parallel_loop3A_558 : vector<16xi32>
      %parallel_loop3A_560 = arith.addi %parallel_loop3A_556, %parallel_loop3A_559 : vector<16xi32>
      %parallel_loop3A_561 = arith.addi %parallel_loop3A_560, %parallel_loop3A_553 : vector<16xi32>
      %parallel_loop3A_562 = arith.addi %parallel_loop3A_561, %mul3A_5 : vector<16xi32>
      tpu.vector_store_idx %arg8[%parallel_loop3A_562], %broadcast_in_dim3A_6 {add = true} : memref<65552xf32, #tpu.memory_space<vmem>>[vector<16xi32>], vector<16xf32>,
    } {sc.loop_unroll_factor = 8 : i64, sc.parallel_access}
    %parallel_loop3A_471 = arith.constant 0 : i32
    %parallel_loop3A_472 = arith.constant 256 : i32
    %parallel_loop3A_473 = arith.constant 1 : i32
    scf.for %parallel_loop3A_516 = %parallel_loop3A_471 to %parallel_loop3A_472 step %parallel_loop3A_473  : i32 {
      %parallel_loop3A_517 = arith.constant 16 : i32
      %parallel_loop3A_518 = arith.muli %parallel_loop3A_516, %parallel_loop3A_517 : i32
      %parallel_loop3A_519 = arith.index_cast %parallel_loop3A_518 : i32 to index
      %parallel_loop3A_520 = tpu.vector_load %arg8[%parallel_loop3A_519] {strides = array<i32>} : memref<65552xf32, #tpu.memory_space<vmem>>, vector<16xf32>,
      %parallel_loop3A_521 = arith.constant 16 : i32
      %parallel_loop3A_522 = arith.muli %parallel_loop3A_516, %parallel_loop3A_521 : i32
      %parallel_loop3A_523 = arith.constant 4097 : i32
      %parallel_loop3A_524 = arith.addi %parallel_loop3A_523, %parallel_loop3A_522 : i32
      %parallel_loop3A_525 = arith.index_cast %parallel_loop3A_524 : i32 to index
      %parallel_loop3A_526 = tpu.vector_load %arg8[%parallel_loop3A_525] {strides = array<i32>} : memref<65552xf32, #tpu.memory_space<vmem>>, vector<16xf32>,
      %parallel_loop3A_527 = arith.addf %parallel_loop3A_520, %parallel_loop3A_526 : vector<16xf32>
      %parallel_loop3A_528 = arith.constant 16 : i32
      %parallel_loop3A_529 = arith.muli %parallel_loop3A_516, %parallel_loop3A_528 : i32
      %parallel_loop3A_530 = arith.constant 8194 : i32
      %parallel_loop3A_531 = arith.addi %parallel_loop3A_530, %parallel_loop3A_529 : i32
      %parallel_loop3A_532 = arith.index_cast %parallel_loop3A_531 : i32 to index
      %parallel_loop3A_533 = tpu.vector_load %arg8[%parallel_loop3A_532] {strides = array<i32>} : memref<65552xf32, #tpu.memory_space<vmem>>, vector<16xf32>,
      %parallel_loop3A_534 = arith.addf %parallel_loop3A_527, %parallel_loop3A_533 : vector<16xf32>
      %parallel_loop3A_535 = arith.constant 16 : i32
      %parallel_loop3A_536 = arith.muli %parallel_loop3A_516, %parallel_loop3A_535 : i32
      %parallel_loop3A_537 = arith.constant 12291 : i32
      %parallel_loop3A_538 = arith.addi %parallel_loop3A_537, %parallel_loop3A_536 : i32
      %parallel_loop3A_539 = arith.index_cast %parallel_loop3A_538 : i32 to index
      %parallel_loop3A_540 = tpu.vector_load %arg8[%parallel_loop3A_539] {strides = array<i32>} : memref<65552xf32, #tpu.memory_space<vmem>>, vector<16xf32>,
      %parallel_loop3A_541 = arith.addf %parallel_loop3A_534, %parallel_loop3A_540 : vector<16xf32>
      %parallel_loop3A_542 = arith.constant 16 : i32
      %parallel_loop3A_543 = arith.muli %parallel_loop3A_516, %parallel_loop3A_542 : i32
      %parallel_loop3A_544 = arith.constant 16388 : i32
      %parallel_loop3A_545 = arith.addi %parallel_loop3A_544, %parallel_loop3A_543 : i32
      %parallel_loop3A_546 = arith.index_cast %parallel_loop3A_545 : i32 to index
      %parallel_loop3A_547 = tpu.vector_load %arg8[%parallel_loop3A_546] {strides = array<i32>} : memref<65552xf32, #tpu.memory_space<vmem>>, vector<16xf32>,
      %parallel_loop3A_548 = arith.addf %parallel_loop3A_541, %parallel_loop3A_547 : vector<16xf32>
      %parallel_loop3A_549 = arith.constant 16 : i32
      %parallel_loop3A_550 = arith.muli %parallel_loop3A_516, %parallel_loop3A_549 : i32
      %parallel_loop3A_551 = arith.constant 20485 : i32
      %parallel_loop3A_552 = arith.addi %parallel_loop3A_551, %parallel_loop3A_550 : i32
      %parallel_loop3A_553 = arith.index_cast %parallel_loop3A_552 : i32 to index
      %parallel_loop3A_554 = tpu.vector_load %arg8[%parallel_loop3A_553] {strides = array<i32>} : memref<65552xf32, #tpu.memory_space<vmem>>, vector<16xf32>,
      %parallel_loop3A_555 = arith.addf %parallel_loop3A_548, %parallel_loop3A_554 : vector<16xf32>
      %parallel_loop3A_556 = arith.constant 16 : i32
      %parallel_loop3A_557 = arith.muli %parallel_loop3A_516, %parallel_loop3A_556 : i32
      %parallel_loop3A_558 = arith.constant 24582 : i32
      %parallel_loop3A_559 = arith.addi %parallel_loop3A_558, %parallel_loop3A_557 : i32
      %parallel_loop3A_560 = arith.index_cast %parallel_loop3A_559 : i32 to index
      %parallel_loop3A_561 = tpu.vector_load %arg8[%parallel_loop3A_560] {strides = array<i32>} : memref<65552xf32, #tpu.memory_space<vmem>>, vector<16xf32>,
      %parallel_loop3A_562 = arith.addf %parallel_loop3A_555, %parallel_loop3A_561 : vector<16xf32>
      %parallel_loop3A_563 = arith.constant 16 : i32
      %parallel_loop3A_564 = arith.muli %parallel_loop3A_516, %parallel_loop3A_563 : i32
      %parallel_loop3A_565 = arith.constant 28679 : i32
      %parallel_loop3A_566 = arith.addi %parallel_loop3A_565, %parallel_loop3A_564 : i32
      %parallel_loop3A_567 = arith.index_cast %parallel_loop3A_566 : i32 to index
      %parallel_loop3A_568 = tpu.vector_load %arg8[%parallel_loop3A_567] {strides = array<i32>} : memref<65552xf32, #tpu.memory_space<vmem>>, vector<16xf32>,
      %parallel_loop3A_569 = arith.addf %parallel_loop3A_562, %parallel_loop3A_568 : vector<16xf32>
      %parallel_loop3A_570 = arith.constant 16 : i32
      %parallel_loop3A_571 = arith.muli %parallel_loop3A_516, %parallel_loop3A_570 : i32
      %parallel_loop3A_572 = arith.constant 32776 : i32
      %parallel_loop3A_573 = arith.addi %parallel_loop3A_572, %parallel_loop3A_571 : i32
      %parallel_loop3A_574 = arith.index_cast %parallel_loop3A_573 : i32 to index
      %parallel_loop3A_575 = tpu.vector_load %arg8[%parallel_loop3A_574] {strides = array<i32>} : memref<65552xf32, #tpu.memory_space<vmem>>, vector<16xf32>,
      %parallel_loop3A_576 = arith.addf %parallel_loop3A_569, %parallel_loop3A_575 : vector<16xf32>
      %parallel_loop3A_577 = arith.constant 16 : i32
      %parallel_loop3A_578 = arith.muli %parallel_loop3A_516, %parallel_loop3A_577 : i32
      %parallel_loop3A_579 = arith.constant 36873 : i32
      %parallel_loop3A_580 = arith.addi %parallel_loop3A_579, %parallel_loop3A_578 : i32
      %parallel_loop3A_581 = arith.index_cast %parallel_loop3A_580 : i32 to index
      %parallel_loop3A_582 = tpu.vector_load %arg8[%parallel_loop3A_581] {strides = array<i32>} : memref<65552xf32, #tpu.memory_space<vmem>>, vector<16xf32>,
      %parallel_loop3A_583 = arith.addf %parallel_loop3A_576, %parallel_loop3A_582 : vector<16xf32>
      %parallel_loop3A_584 = arith.constant 16 : i32
      %parallel_loop3A_585 = arith.muli %parallel_loop3A_516, %parallel_loop3A_584 : i32
      %parallel_loop3A_586 = arith.constant 40970 : i32
      %parallel_loop3A_587 = arith.addi %parallel_loop3A_586, %parallel_loop3A_585 : i32
      %parallel_loop3A_588 = arith.index_cast %parallel_loop3A_587 : i32 to index
      %parallel_loop3A_589 = tpu.vector_load %arg8[%parallel_loop3A_588] {strides = array<i32>} : memref<65552xf32, #tpu.memory_space<vmem>>, vector<16xf32>,
      %parallel_loop3A_590 = arith.addf %parallel_loop3A_583, %parallel_loop3A_589 : vector<16xf32>
      %parallel_loop3A_591 = arith.constant 16 : i32
      %parallel_loop3A_592 = arith.muli %parallel_loop3A_516, %parallel_loop3A_591 : i32
      %parallel_loop3A_593 = arith.constant 45067 : i32
      %parallel_loop3A_594 = arith.addi %parallel_loop3A_593, %parallel_loop3A_592 : i32
      %parallel_loop3A_595 = arith.index_cast %parallel_loop3A_594 : i32 to index
      %parallel_loop3A_596 = tpu.vector_load %arg8[%parallel_loop3A_595] {strides = array<i32>} : memref<65552xf32, #tpu.memory_space<vmem>>, vector<16xf32>,
      %parallel_loop3A_597 = arith.addf %parallel_loop3A_590, %parallel_loop3A_596 : vector<16xf32>
      %parallel_loop3A_598 = arith.constant 16 : i32
      %parallel_loop3A_599 = arith.muli %parallel_loop3A_516, %parallel_loop3A_598 : i32
      %parallel_loop3A_600 = arith.constant 49164 : i32
      %parallel_loop3A_601 = arith.addi %parallel_loop3A_600, %parallel_loop3A_599 : i32
      %parallel_loop3A_602 = arith.index_cast %parallel_loop3A_601 : i32 to index
      %parallel_loop3A_603 = tpu.vector_load %arg8[%parallel_loop3A_602] {strides = array<i32>} : memref<65552xf32, #tpu.memory_space<vmem>>, vector<16xf32>,
      %parallel_loop3A_604 = arith.addf %parallel_loop3A_597, %parallel_loop3A_603 : vector<16xf32>
      %parallel_loop3A_605 = arith.constant 16 : i32
      %parallel_loop3A_606 = arith.muli %parallel_loop3A_516, %parallel_loop3A_605 : i32
      %parallel_loop3A_607 = arith.constant 53261 : i32
      %parallel_loop3A_608 = arith.addi %parallel_loop3A_607, %parallel_loop3A_606 : i32
      %parallel_loop3A_609 = arith.index_cast %parallel_loop3A_608 : i32 to index
      %parallel_loop3A_610 = tpu.vector_load %arg8[%parallel_loop3A_609] {strides = array<i32>} : memref<65552xf32, #tpu.memory_space<vmem>>, vector<16xf32>,
      %parallel_loop3A_611 = arith.addf %parallel_loop3A_604, %parallel_loop3A_610 : vector<16xf32>
      %parallel_loop3A_612 = arith.constant 16 : i32
      %parallel_loop3A_613 = arith.muli %parallel_loop3A_516, %parallel_loop3A_612 : i32
      %parallel_loop3A_614 = arith.constant 57358 : i32
      %parallel_loop3A_615 = arith.addi %parallel_loop3A_614, %parallel_loop3A_613 : i32
      %parallel_loop3A_616 = arith.index_cast %parallel_loop3A_615 : i32 to index
      %parallel_loop3A_617 = tpu.vector_load %arg8[%parallel_loop3A_616] {strides = array<i32>} : memref<65552xf32, #tpu.memory_space<vmem>>, vector<16xf32>,
      %parallel_loop3A_618 = arith.addf %parallel_loop3A_611, %parallel_loop3A_617 : vector<16xf32>
      %parallel_loop3A_619 = arith.constant 16 : i32
      %parallel_loop3A_620 = arith.muli %parallel_loop3A_516, %parallel_loop3A_619 : i32
      %parallel_loop3A_621 = arith.constant 61455 : i32
      %parallel_loop3A_622 = arith.addi %parallel_loop3A_621, %parallel_loop3A_620 : i32
      %parallel_loop3A_623 = arith.index_cast %parallel_loop3A_622 : i32 to index
      %parallel_loop3A_624 = tpu.vector_load %arg8[%parallel_loop3A_623] {strides = array<i32>} : memref<65552xf32, #tpu.memory_space<vmem>>, vector<16xf32>,
      %parallel_loop3A_625 = arith.addf %parallel_loop3A_618, %parallel_loop3A_624 : vector<16xf32>
      %parallel_loop3A_626 = arith.constant 16 : i32
      %parallel_loop3A_627 = arith.muli %parallel_loop3A_516, %parallel_loop3A_626 : i32
      %parallel_loop3A_628 = arith.index_cast %parallel_loop3A_627 : i32 to index
      %parallel_loop3A_629 = tpu.vector_load %arg9[%parallel_loop3A_628] {strides = array<i32>} : memref<4096xf32, #tpu.memory_space<vmem>>, vector<16xf32>,
      tpu.vector_store %arg9[%parallel_loop3A_628], %parallel_loop3A_625 {strides = array<i32>} : memref<4096xf32, #tpu.memory_space<vmem>>, vector<16xf32>,
    } {sc.loop_unroll_factor = 2 : i64, sc.parallel_access}
    %dma_wait3A_474 = arith.constant 0 : i32
    %dma_wait3A_475 = arith.constant 0 : i32
    %dma_wait3A_476 = arith.constant 0 : i32
    %dma_wait3A_477 = tpu.memref_slice %arg7[%dma_wait3A_475, %dma_wait3A_476] : memref<3x128xf32, #tpu.memory_space<vmem>> -> memref<1x128xf32, #tpu.memory_space<vmem>>
    %dma_wait3A_478 = arith.constant 0 : i32
    %dma_wait3A_479 = tpu.memref_slice %arg3[%dma_wait3A_474, %add3A, %dma_wait3A_478] : memref<3x32x128xf32, #tpu.memory_space<hbm>> -> memref<1x1x128xf32, #tpu.memory_space<hbm>>
    %dma_wait3A_480 = tpu.memref_squeeze %dma_wait3A_479 : memref<1x1x128xf32, #tpu.memory_space<hbm>> -> memref<1x128xf32, #tpu.memory_space<hbm>>
    %dma_wait3A_481 = arith.constant 0 : i32
    %dma_wait3A_482 = arith.constant 0 : i32
    %dma_wait3A_483 = tpu.memref_slice %arg7[%dma_wait3A_481, %dma_wait3A_482] : memref<3x128xf32, #tpu.memory_space<vmem>> -> memref<1x128xf32, #tpu.memory_space<vmem>>
    %dma_wait3A_484 = arith.constant 0 : i32
    %dma_wait3A_485 = tpu.memref_slice %arg3[%dma_wait3A_474, %add3A, %dma_wait3A_484] : memref<3x32x128xf32, #tpu.memory_space<hbm>> -> memref<1x1x128xf32, #tpu.memory_space<hbm>>
    %dma_wait3A_486 = tpu.memref_squeeze %dma_wait3A_485 : memref<1x1x128xf32, #tpu.memory_space<hbm>> -> memref<1x128xf32, #tpu.memory_space<hbm>>
    tpu.wait_dma2 semaphore(%arg13 : memref<!tpu.dma_semaphore, #tpu.memory_space<semaphore_mem>>) src(%dma_wait3A_486 : memref<1x128xf32, #tpu.memory_space<hbm>>) dst(%dma_wait3A_483 : memref<1x128xf32, #tpu.memory_space<vmem>>)
    %dma_wait3A_487 = arith.constant 1 : i32
    %dma_wait3A_488 = arith.constant 1 : i32
    %dma_wait3A_489 = arith.constant 0 : i32
    %dma_wait3A_490 = tpu.memref_slice %arg7[%dma_wait3A_488, %dma_wait3A_489] : memref<3x128xf32, #tpu.memory_space<vmem>> -> memref<1x128xf32, #tpu.memory_space<vmem>>
    %dma_wait3A_491 = arith.constant 0 : i32
    %dma_wait3A_492 = tpu.memref_slice %arg3[%dma_wait3A_487, %add3A, %dma_wait3A_491] : memref<3x32x128xf32, #tpu.memory_space<hbm>> -> memref<1x1x128xf32, #tpu.memory_space<hbm>>
    %dma_wait3A_493 = tpu.memref_squeeze %dma_wait3A_492 : memref<1x1x128xf32, #tpu.memory_space<hbm>> -> memref<1x128xf32, #tpu.memory_space<hbm>>
    %dma_wait3A_494 = arith.constant 1 : i32
    %dma_wait3A_495 = arith.constant 0 : i32
    %dma_wait3A_496 = tpu.memref_slice %arg7[%dma_wait3A_494, %dma_wait3A_495] : memref<3x128xf32, #tpu.memory_space<vmem>> -> memref<1x128xf32, #tpu.memory_space<vmem>>
    %dma_wait3A_497 = arith.constant 0 : i32
    %dma_wait3A_498 = tpu.memref_slice %arg3[%dma_wait3A_487, %add3A, %dma_wait3A_497] : memref<3x32x128xf32, #tpu.memory_space<hbm>> -> memref<1x1x128xf32, #tpu.memory_space<hbm>>
    %dma_wait3A_499 = tpu.memref_squeeze %dma_wait3A_498 : memref<1x1x128xf32, #tpu.memory_space<hbm>> -> memref<1x128xf32, #tpu.memory_space<hbm>>
    tpu.wait_dma2 semaphore(%arg13 : memref<!tpu.dma_semaphore, #tpu.memory_space<semaphore_mem>>) src(%dma_wait3A_499 : memref<1x128xf32, #tpu.memory_space<hbm>>) dst(%dma_wait3A_496 : memref<1x128xf32, #tpu.memory_space<vmem>>)
    %dma_wait3A_500 = arith.constant 2 : i32
    %dma_wait3A_501 = arith.constant 2 : i32
    %dma_wait3A_502 = arith.constant 0 : i32
    %dma_wait3A_503 = tpu.memref_slice %arg7[%dma_wait3A_501, %dma_wait3A_502] : memref<3x128xf32, #tpu.memory_space<vmem>> -> memref<1x128xf32, #tpu.memory_space<vmem>>
    %dma_wait3A_504 = arith.constant 0 : i32
    %dma_wait3A_505 = tpu.memref_slice %arg3[%dma_wait3A_500, %add3A, %dma_wait3A_504] : memref<3x32x128xf32, #tpu.memory_space<hbm>> -> memref<1x1x128xf32, #tpu.memory_space<hbm>>
    %dma_wait3A_506 = tpu.memref_squeeze %dma_wait3A_505 : memref<1x1x128xf32, #tpu.memory_space<hbm>> -> memref<1x128xf32, #tpu.memory_space<hbm>>
    %dma_wait3A_507 = arith.constant 2 : i32
    %dma_wait3A_508 = arith.constant 0 : i32
    %dma_wait3A_509 = tpu.memref_slice %arg7[%dma_wait3A_507, %dma_wait3A_508] : memref<3x128xf32, #tpu.memory_space<vmem>> -> memref<1x128xf32, #tpu.memory_space<vmem>>
    %dma_wait3A_510 = arith.constant 0 : i32
    %dma_wait3A_511 = tpu.memref_slice %arg3[%dma_wait3A_500, %add3A, %dma_wait3A_510] : memref<3x32x128xf32, #tpu.memory_space<hbm>> -> memref<1x1x128xf32, #tpu.memory_space<hbm>>
    %dma_wait3A_512 = tpu.memref_squeeze %dma_wait3A_511 : memref<1x1x128xf32, #tpu.memory_space<hbm>> -> memref<1x128xf32, #tpu.memory_space<hbm>>
    tpu.wait_dma2 semaphore(%arg13 : memref<!tpu.dma_semaphore, #tpu.memory_space<semaphore_mem>>) src(%dma_wait3A_512 : memref<1x128xf32, #tpu.memory_space<hbm>>) dst(%dma_wait3A_509 : memref<1x128xf32, #tpu.memory_space<vmem>>)
    %parallel_loop3A_513 = arith.constant 0 : i32
    %parallel_loop3A_514 = arith.constant 8 : i32
    %parallel_loop3A_515 = arith.constant 1 : i32
    scf.for %parallel_loop3A_516 = %parallel_loop3A_513 to %parallel_loop3A_514 step %parallel_loop3A_515  : i32 {
      %parallel_loop3A_517 = arith.constant 16 : i32
      %parallel_loop3A_518 = arith.muli %parallel_loop3A_516, %parallel_loop3A_517 : i32
      %parallel_loop3A_519 = arith.constant 0 : i32
      %parallel_loop3A_520 = arith.index_cast %parallel_loop3A_519 : i32 to index
      %parallel_loop3A_521 = arith.index_cast %parallel_loop3A_518 : i32 to index
      %parallel_loop3A_522 = tpu.vector_load %arg7[%parallel_loop3A_520, %parallel_loop3A_521] {strides = array<i32>} : memref<3x128xf32, #tpu.memory_space<vmem>>, vector<16xf32>,
      %parallel_loop3A_523 = arith.constant 1 : i32
      %parallel_loop3A_524 = arith.index_cast %parallel_loop3A_523 : i32 to index
      %parallel_loop3A_525 = arith.index_cast %parallel_loop3A_518 : i32 to index
      %parallel_loop3A_526 = tpu.vector_load %arg7[%parallel_loop3A_524, %parallel_loop3A_525] {strides = array<i32>} : memref<3x128xf32, #tpu.memory_space<vmem>>, vector<16xf32>,
      %parallel_loop3A_527 = arith.constant 2 : i32
      %parallel_loop3A_528 = arith.index_cast %parallel_loop3A_527 : i32 to index
      %parallel_loop3A_529 = arith.index_cast %parallel_loop3A_518 : i32 to index
      %parallel_loop3A_530 = tpu.vector_load %arg7[%parallel_loop3A_528, %parallel_loop3A_529] {strides = array<i32>} : memref<3x128xf32, #tpu.memory_space<vmem>>, vector<16xf32>,
      %parallel_loop3A_531 = arith.constant 1.500000e+01 : f32
      %parallel_loop3A_532 = vector.broadcast %parallel_loop3A_531 : f32 to vector<16xf32>
      %parallel_loop3A_533 = arith.mulf %parallel_loop3A_522, %parallel_loop3A_532 : vector<16xf32>
      %parallel_loop3A_534 = arith.fptosi %parallel_loop3A_533 : vector<16xf32> to vector<16xi32>
      %parallel_loop3A_535 = arith.constant 1.500000e+01 : f32
      %parallel_loop3A_536 = vector.broadcast %parallel_loop3A_535 : f32 to vector<16xf32>
      %parallel_loop3A_537 = arith.mulf %parallel_loop3A_526, %parallel_loop3A_536 : vector<16xf32>
      %parallel_loop3A_538 = arith.fptosi %parallel_loop3A_537 : vector<16xf32> to vector<16xi32>
      %parallel_loop3A_539 = arith.constant 1.500000e+01 : f32
      %parallel_loop3A_540 = vector.broadcast %parallel_loop3A_539 : f32 to vector<16xf32>
      %parallel_loop3A_541 = arith.mulf %parallel_loop3A_530, %parallel_loop3A_540 : vector<16xf32>
      %parallel_loop3A_542 = arith.fptosi %parallel_loop3A_541 : vector<16xf32> to vector<16xi32>
      %parallel_loop3A_543 = arith.constant 256 : i32
      %parallel_loop3A_544 = vector.broadcast %parallel_loop3A_543 : i32 to vector<16xi32>
      %parallel_loop3A_545 = arith.muli %parallel_loop3A_534, %parallel_loop3A_544 : vector<16xi32>
      %parallel_loop3A_546 = arith.constant 16 : i32
      %parallel_loop3A_547 = vector.broadcast %parallel_loop3A_546 : i32 to vector<16xi32>
      %parallel_loop3A_548 = arith.muli %parallel_loop3A_538, %parallel_loop3A_547 : vector<16xi32>
      %parallel_loop3A_549 = arith.addi %parallel_loop3A_545, %parallel_loop3A_548 : vector<16xi32>
      %parallel_loop3A_550 = arith.addi %parallel_loop3A_549, %parallel_loop3A_542 : vector<16xi32>
      %parallel_loop3A_551 = arith.constant true
      %parallel_loop3A_552 = vector.broadcast %parallel_loop3A_551 : i1 to vector<16xi1>
      %parallel_loop3A_553, %parallel_loop3A_554 = tpu.scan_count mask(%parallel_loop3A_552 : vector<16xi1>) value(%parallel_loop3A_550 : vector<16xi32>) : vector<16xi1>, vector<16xi32>
      %parallel_loop3A_555 = arith.sitofp %parallel_loop3A_554 : vector<16xi32> to vector<16xf32>
      tpu.vector_store_idx %arg10[%parallel_loop3A_550], %parallel_loop3A_555 masked %parallel_loop3A_553 {add = true} : memref<4096xf32, #tpu.memory_space<vmem>>[vector<16xi32>], vector<16xf32>, vector<16xi1>
    } {sc.loop_unroll_factor = 2 : i64, sc.parallel_access}
    "tpu.region"() ({
      %run_scoped3A = tpu.sem_alloc : memref<!tpu.dma_semaphore, #tpu.memory_space<semaphore_mem>>
      %dma_start3A_516 = arith.constant 0 : i32
      %dma_start3A_517 = tpu.memref_slice %arg4[%add3A, %dma_start3A_516] : memref<32x4096xf32, #tpu.memory_space<hbm>> -> memref<1x4096xf32, #tpu.memory_space<hbm>>
      %dma_start3A_518 = tpu.memref_squeeze %dma_start3A_517 : memref<1x4096xf32, #tpu.memory_space<hbm>> -> memref<4096xf32, #tpu.memory_space<hbm>>
      %dma_start3A_519 = arith.constant 0 : i32
      %dma_start3A_520 = tpu.memref_slice %arg4[%add3A, %dma_start3A_519] : memref<32x4096xf32, #tpu.memory_space<hbm>> -> memref<1x4096xf32, #tpu.memory_space<hbm>>
      %dma_start3A_521 = tpu.memref_squeeze %dma_start3A_520 : memref<1x4096xf32, #tpu.memory_space<hbm>> -> memref<4096xf32, #tpu.memory_space<hbm>>
      tpu.enqueue_dma source(%arg9 : memref<4096xf32, #tpu.memory_space<vmem>>) target(%dma_start3A_521 : memref<4096xf32, #tpu.memory_space<hbm>>) target_semaphore(%run_scoped3A : memref<!tpu.dma_semaphore, #tpu.memory_space<semaphore_mem>>)
      %dma_wait3A_522 = arith.constant 0 : i32
      %dma_wait3A_523 = tpu.memref_slice %arg4[%add3A, %dma_wait3A_522] : memref<32x4096xf32, #tpu.memory_space<hbm>> -> memref<1x4096xf32, #tpu.memory_space<hbm>>
      %dma_wait3A_524 = tpu.memref_squeeze %dma_wait3A_523 : memref<1x4096xf32, #tpu.memory_space<hbm>> -> memref<4096xf32, #tpu.memory_space<hbm>>
      %dma_wait3A_525 = arith.constant 0 : i32
      %dma_wait3A_526 = tpu.memref_slice %arg4[%add3A, %dma_wait3A_525] : memref<32x4096xf32, #tpu.memory_space<hbm>> -> memref<1x4096xf32, #tpu.memory_space<hbm>>
      %dma_wait3A_527 = tpu.memref_squeeze %dma_wait3A_526 : memref<1x4096xf32, #tpu.memory_space<hbm>> -> memref<4096xf32, #tpu.memory_space<hbm>>
      tpu.wait_dma2 semaphore(%run_scoped3A : memref<!tpu.dma_semaphore, #tpu.memory_space<semaphore_mem>>) src(%arg9 : memref<4096xf32, #tpu.memory_space<vmem>>) dst(%dma_wait3A_527 : memref<4096xf32, #tpu.memory_space<hbm>>)
      tpu.yield
    }) : () -> ()
    "tpu.region"() ({
      %run_scoped3A = tpu.sem_alloc : memref<!tpu.dma_semaphore, #tpu.memory_space<semaphore_mem>>
      %dma_start3A_516 = arith.constant 0 : i32
      %dma_start3A_517 = tpu.memref_slice %arg5[%add3A, %dma_start3A_516] : memref<32x4096xf32, #tpu.memory_space<hbm>> -> memref<1x4096xf32, #tpu.memory_space<hbm>>
      %dma_start3A_518 = tpu.memref_squeeze %dma_start3A_517 : memref<1x4096xf32, #tpu.memory_space<hbm>> -> memref<4096xf32, #tpu.memory_space<hbm>>
      %dma_start3A_519 = arith.constant 0 : i32
      %dma_start3A_520 = tpu.memref_slice %arg5[%add3A, %dma_start3A_519] : memref<32x4096xf32, #tpu.memory_space<hbm>> -> memref<1x4096xf32, #tpu.memory_space<hbm>>
      %dma_start3A_521 = tpu.memref_squeeze %dma_start3A_520 : memref<1x4096xf32, #tpu.memory_space<hbm>> -> memref<4096xf32, #tpu.memory_space<hbm>>
      tpu.enqueue_dma source(%arg10 : memref<4096xf32, #tpu.memory_space<vmem>>) target(%dma_start3A_521 : memref<4096xf32, #tpu.memory_space<hbm>>) target_semaphore(%run_scoped3A : memref<!tpu.dma_semaphore, #tpu.memory_space<semaphore_mem>>)
      %dma_wait3A_522 = arith.constant 0 : i32
      %dma_wait3A_523 = tpu.memref_slice %arg5[%add3A, %dma_wait3A_522] : memref<32x4096xf32, #tpu.memory_space<hbm>> -> memref<1x4096xf32, #tpu.memory_space<hbm>>
      %dma_wait3A_524 = tpu.memref_squeeze %dma_wait3A_523 : memref<1x4096xf32, #tpu.memory_space<hbm>> -> memref<4096xf32, #tpu.memory_space<hbm>>
      %dma_wait3A_525 = arith.constant 0 : i32
      %dma_wait3A_526 = tpu.memref_slice %arg5[%add3A, %dma_wait3A_525] : memref<32x4096xf32, #tpu.memory_space<hbm>> -> memref<1x4096xf32, #tpu.memory_space<hbm>>
      %dma_wait3A_527 = tpu.memref_squeeze %dma_wait3A_526 : memref<1x4096xf32, #tpu.memory_space<hbm>> -> memref<4096xf32, #tpu.memory_space<hbm>>
      tpu.wait_dma2 semaphore(%run_scoped3A : memref<!tpu.dma_semaphore, #tpu.memory_space<semaphore_mem>>) src(%arg10 : memref<4096xf32, #tpu.memory_space<vmem>>) dst(%dma_wait3A_527 : memref<4096xf32, #tpu.memory_space<hbm>>)
      tpu.yield
    }) : () -> ()
    return
  }
}

module attributes {stable_mosaic.version = 14 : i64} {
  func.func @_loss_body(%arg0: memref<32x4096xf32, #tpu.memory_space<vmem>>, %arg1: memref<32x4096xf32, #tpu.memory_space<vmem>>, %arg2: memref<1x1xf32, #tpu.memory_space<vmem>>) attributes {dimension_semantics = [], scalar_prefetch = 0 : i64, scratch_operands = 0 : i64, tpu.core_type = #tpu.core_type<tc>} {
    %get3A = arith.constant 0 : index
    %get3A_0 = arith.constant 0 : index
    %get3A_1 = vector.load %arg0[%get3A, %get3A_0] : memref<32x4096xf32, #tpu.memory_space<vmem>>, vector<32x4096xf32>
    %reduce_sum3A = arith.constant dense<0.000000e+00> : vector<4096xf32>
    %reduce_sum3A_2 = vector.multi_reduction <add>, %get3A_1, %reduce_sum3A [0] : vector<32x4096xf32> to vector<4096xf32>
    %broadcast_in_dim3A = vector.shape_cast %reduce_sum3A_2 : vector<4096xf32> to vector<1x4096xf32>
    %get3A_3 = arith.constant 0 : index
    %get3A_4 = arith.constant 0 : index
    %get3A_5 = vector.load %arg1[%get3A_3, %get3A_4] : memref<32x4096xf32, #tpu.memory_space<vmem>>, vector<32x4096xf32>
    %reduce_sum3A_6 = arith.constant dense<0.000000e+00> : vector<4096xf32>
    %reduce_sum3A_7 = vector.multi_reduction <add>, %get3A_5, %reduce_sum3A_6 [0] : vector<32x4096xf32> to vector<4096xf32>
    %broadcast_in_dim3A_8 = vector.shape_cast %reduce_sum3A_7 : vector<4096xf32> to vector<1x4096xf32>
    %reduce_sum3A_9 = vector.shape_cast %broadcast_in_dim3A : vector<1x4096xf32> to vector<1x1x4096xf32>
    %reduce_sum3A_10 = arith.constant dense<0.000000e+00> : vector<1xf32>
    %reduce_sum3A_11 = vector.multi_reduction <add>, %reduce_sum3A_9, %reduce_sum3A_10 [1, 2] : vector<1x1x4096xf32> to vector<1xf32>
    %reduce_sum3A_12 = vector.shape_cast %reduce_sum3A_11 : vector<1xf32> to vector<1x1x1xf32>
    %reduce_sum3A_13 = vector.extract %reduce_sum3A_12[0, 0, 0] : f32 from vector<1x1x1xf32>
    %add3A = arith.constant 9.99999993E-9 : f32
    %add3A_14 = arith.addf %reduce_sum3A_13, %add3A : f32
    %div3A = vector.broadcast %add3A_14 : f32 to vector<1x4096xf32>
    %div3A_15 = arith.divf %broadcast_in_dim3A, %div3A : vector<1x4096xf32>
    %reduce_sum3A_16 = vector.shape_cast %broadcast_in_dim3A_8 : vector<1x4096xf32> to vector<1x1x4096xf32>
    %reduce_sum3A_17 = arith.constant dense<0.000000e+00> : vector<1xf32>
    %reduce_sum3A_18 = vector.multi_reduction <add>, %reduce_sum3A_16, %reduce_sum3A_17 [1, 2] : vector<1x1x4096xf32> to vector<1xf32>
    %reduce_sum3A_19 = vector.shape_cast %reduce_sum3A_18 : vector<1xf32> to vector<1x1x1xf32>
    %reduce_sum3A_20 = vector.extract %reduce_sum3A_19[0, 0, 0] : f32 from vector<1x1x1xf32>
    %add3A_21 = arith.constant 9.99999993E-9 : f32
    %add3A_22 = arith.addf %reduce_sum3A_20, %add3A_21 : f32
    %div3A_23 = vector.broadcast %add3A_22 : f32 to vector<1x4096xf32>
    %div3A_24 = arith.divf %broadcast_in_dim3A_8, %div3A_23 : vector<1x4096xf32>
    %sub3A = arith.subf %div3A_15, %div3A_24 : vector<1x4096xf32>
    %abs3A = math.absf %sub3A : vector<1x4096xf32>
    %reduce_sum3A_25 = vector.shape_cast %abs3A : vector<1x4096xf32> to vector<1x1x4096xf32>
    %reduce_sum3A_26 = arith.constant dense<0.000000e+00> : vector<1xf32>
    %reduce_sum3A_27 = vector.multi_reduction <add>, %reduce_sum3A_25, %reduce_sum3A_26 [1, 2] : vector<1x1x4096xf32> to vector<1xf32>
    %reduce_sum3A_28 = vector.shape_cast %reduce_sum3A_27 : vector<1xf32> to vector<1x1x1xf32>
    %reduce_sum3A_29 = vector.extract %reduce_sum3A_28[0, 0, 0] : f32 from vector<1x1x1xf32>
    %div3A_30 = arith.constant 4.096000e+03 : f32
    %div3A_31 = arith.divf %reduce_sum3A_29, %div3A_30 : f32
    %broadcast_in_dim3A_32 = vector.broadcast %div3A_31 : f32 to vector<1x1xf32>
    %swap3A = arith.constant 0 : index
    %swap3A_33 = arith.constant 0 : index
    %swap3A_34 = vector.load %arg2[%swap3A, %swap3A_33] : memref<1x1xf32, #tpu.memory_space<vmem>>, vector<1x1xf32>
    tpu.vector_store %arg2[%swap3A, %swap3A_33], %broadcast_in_dim3A_32 {strides = array<i32>} : memref<1x1xf32, #tpu.memory_space<vmem>>, vector<1x1xf32>,
    return
  }
}

</mosaic_0001>

<sc_bundles>
// kernel: kernel.4.cloned.1.call-start
scs
__scs_entry_jumppad:
0x0: {  	(pc) =	sbr.rel $0x88, $3  }
0x1: {  	(tag) =	ssettag $0x0;
	lr =	simm.s32 $0x1  }
0x2: {  	[smem:$0x3F9F] =	sst lr;
	_ =	strace $0xD0000000  }
0x3: {  	_ = 	snop  }
0x4: {  	_ = 	snop  }
0x5: {  	_ = 	snop  }
0x6: {  	_ = 	snop  }
0x7: {  	_ = 	snop  }
__scs_overlays_trampoline_lowered:
0x8: {  	[smem:$0x3FAE] =	sst s0  }
0x9: {  	[smem:$0x3FAF] =	sst s1  }
0xa: {  	[smem:$0x3FB0] =	sst s2  }
0xb: {  	[smem:$0x3FB1] =	sst s3  }
0xc: {  	[smem:$0x3FB2] =	sst s4  }
0xd: {  	[smem:$0x3FB3] =	sst s5  }
0xe: {  	[smem:$0x3FB4] =	sst s6  }
0xf: {  	[smem:$0x3FB5] =	sst s7  }
0x10: {  	[smem:$0x3FB6] =	sst s8  }
0x11: {  	[smem:$0x3FB7] =	sst s9;
	s0 =	simm.s32 @!p0 $0x0  }
0x12: {  	s1 =	sld [smem:$0x3F9D];
	s0 =	simm.s32 @p0 $0x1  }
0x13: {  	[smem:$0x3FB8] =	sst s0;
	s0 =	simm.s32 @!p1 $0x0  }
0x14: {  	s2 =	sld [smem:$0x3F9C];
	s0 =	simm.s32 @p1 $0x1  }
0x15: {  	[smem:$0x3FB9] =	sst s0;
	s0 =	simm.s32 @!p2 $0x0  }
0x16: {  	s3 =	sld [smem:$0x3FDB];
	s0 =	simm.s32 @p2 $0x1  }
0x17: {  	s4 =	simm.s32 $0x1BF5;
	[smem:$0x3FBB] =	sst s0  }
0x18: {  	s0 =	sld [smem:$0x3F9E];
	_ =	swait.ge [sflag:s4], $0x0  }
0x19: {  	s7 =	sld [smem:$0x3F9F]  }
0x1a: {  	s8 =	sadd.s32 $0xFFFFE003, lr  }
0x1b: {  	s9 =	sadd.s32 $0xFFFFFEF7, lr;
	s5 =	simm.s32 $0xFFFFFFFF;
	p2 =	slt.u32 s8, $0xFFFFF086  }
0x1c: {  	p1 =	slt.u32 s9, $0xF7A;
	s5 =	simm.s32 @!p2 $0x0  }
0x1d: {  	s5 =	simm.s32 @p1 $0x1;
	p0 =	seq.s32 s7, s2  }
0x1e: {  	s7 =	smul.u32 @!p0 $0xF7A, s2;
	p2 =	seq.s32 @!p0 s5, $0x0  }
0x1f: {  	s9 =	smul.u32 $0xF7A, s1;
	s8 =	simm.s32 @!p0 $0x1BF5;
	p2 =	por !p2, p0  }
0x20: {  	[sflag:s8] =	ssyncset.s32 @!p0 $0xFFFFF086;
	s6 =	sadd.s32 @!p0 s3, s7;
	s7 =	simm.s32 @!p0 $0x108  }
0x21: {  	s3 =	sadd.s32 s3, s9;
	s6 =	sadd.s32 @!p0 $0x88, s6;
	s7 =	simm.s32 @p2 $0x1082  }
0x22: {  	[simem:s7], [sflag:s8] =	dma.local @!p0 [hbm:s6], $0xF7A  }
0x23: {  	s9 =	sor.u32 $0xD0000000, s2;
	s6 =	simm.s32 $0x108;
	_ =	swait.ge @!p0 [sflag:s8], $0x0  }
0x24: {  	s3 =	sadd.s32 $0x88, s3;
	s6 =	simm.s32 @!p1 $0x1082;
	[sflag:s4] =	ssyncset.s32 $0xFFFFF086  }
0x25: {  	[simem:s6], [sflag:s4] =	dma.local [hbm:s3], $0xF7A  }
0x26: {  	[smem:$0x3F9F] =	sst s1;
	(tag) =	ssettag s2;
	_ =	strace s9  }
0x27: {  	s1 =	sld [smem:$0x3FAF]  }
0x28: {  	s2 =	sld [smem:$0x3FB0]  }
0x29: {  	s4 =	sld [smem:$0x3FB2]  }
0x2a: {  	p0 =	seq.s32 s5, $0x0;
	s5 =	sld [smem:$0x3FB3]  }
0x2b: {  	s6 =	sld [smem:$0x3FB4]  }
0x2c: {  	s7 =	sld [smem:$0x3FB5]  }
0x2d: {  	s3 =	simm.s32 $0x108;
	s8 =	sld [smem:$0x3FB6]  }
0x2e: {  	s3 =	simm.s32 @!p0 $0x1082;
	s9 =	sld [smem:$0x3FB7]  }
0x2f: {  	lr =	sadd.s32 s0, s3;
	s0 =	sld [smem:$0x3FAE]  }
0x30: {  	s3 =	sld [smem:$0x3FB1]  }
0x31: {  	[smem:$0x3FBA] =	sst s10  }
0x32: {  	s10 =	sld [smem:$0x3FB8];
	_ =	sdelay $0x3  }
0x33: {  	p0 =	seq.s32 s10, $0x1;
	s10 =	sld [smem:$0x3FBA];
	_ =	sdelay $0x3  }
0x34: {  	[smem:$0x3FBA] =	sst s10  }
0x35: {  	s10 =	sld [smem:$0x3FB9];
	_ =	sdelay $0x3  }
0x36: {  	p1 =	seq.s32 s10, $0x1;
	s10 =	sld [smem:$0x3FBA];
	_ =	sdelay $0x3  }
0x37: {  	[smem:$0x3FBA] =	sst s10  }
0x38: {  	s10 =	sld [smem:$0x3FBB]  }
0x39: {  	_ = 	snop;
	(pc) =	sbr.ind lr, $3  }
0x3a: {  	_ = 	snop  }
0x3b: {  	_ = 	snop  }
0x3c: {  	p2 =	seq.s32 s10, $0x1;
	s10 =	sld [smem:$0x3FBA]  }
0x3d: {  	_ =	shalt  }
0x3e: {  	_ =	shalt  }
0x3f: {  	_ =	shalt  }
0x40: {  	_ =	shalt  }
0x41: {  	_ =	shalt  }
0x42: {  	_ =	shalt  }
0x43: {  	_ =	shalt  }
0x44: {  	_ =	shalt  }
0x45: {  	_ =	shalt  }
0x46: {  	_ =	shalt  }
0x47: {  	_ =	shalt  }
0x48: {  	_ =	shalt  }
0x49: {  	_ =	shalt  }
0x4a: {  	_ =	shalt  }
0x4b: {  	_ =	shalt  }
0x4c: {  	_ =	shalt  }
0x4d: {  	_ =	shalt  }
0x4e: {  	_ =	shalt  }
0x4f: {  	_ =	shalt  }
0x50: {  	_ =	shalt  }
0x51: {  	_ =	shalt  }
0x52: {  	_ =	shalt  }
0x53: {  	_ =	shalt  }
0x54: {  	_ =	shalt  }
0x55: {  	_ =	shalt  }
0x56: {  	_ =	shalt  }
0x57: {  	_ =	shalt  }
0x58: {  	_ =	shalt  }
0x59: {  	_ =	shalt  }
0x5a: {  	_ =	shalt  }
0x5b: {  	_ =	shalt  }
0x5c: {  	_ =	shalt  }
0x5d: {  	_ =	shalt  }
0x5e: {  	_ =	shalt  }
0x5f: {  	_ =	shalt  }
0x60: {  	_ =	shalt  }
0x61: {  	_ =	shalt  }
0x62: {  	_ =	shalt  }
0x63: {  	_ =	shalt  }
0x64: {  	_ =	shalt  }
0x65: {  	_ =	shalt  }
0x66: {  	_ =	shalt  }
0x67: {  	_ =	shalt  }
0x68: {  	_ =	shalt  }
0x69: {  	_ =	shalt  }
0x6a: {  	_ =	shalt  }
0x6b: {  	_ =	shalt  }
0x6c: {  	_ =	shalt  }
0x6d: {  	_ =	shalt  }
0x6e: {  	_ =	shalt  }
0x6f: {  	_ =	shalt  }
0x70: {  	_ =	shalt  }
0x71: {  	_ =	shalt  }
0x72: {  	_ =	shalt  }
0x73: {  	_ =	shalt  }
0x74: {  	_ =	shalt  }
0x75: {  	_ =	shalt  }
0x76: {  	_ =	shalt  }
0x77: {  	_ =	shalt  }
0x78: {  	_ =	shalt  }
0x79: {  	_ =	shalt  }
0x7a: {  	_ =	shalt  }
0x7b: {  	_ =	shalt  }
0x7c: {  	_ =	shalt  }
0x7d: {  	_ =	shalt  }
0x7e: {  	_ =	shalt  }
0x7f: {  	_ =	shalt  }
0x80: {  	_ =	shalt  }
0x81: {  	_ =	shalt  }
0x82: {  	_ =	shalt  }
0x83: {  	_ =	shalt  }
0x84: {  	_ =	shalt  }
0x85: {  	_ =	shalt  }
0x86: {  	_ =	shalt  }
0x87: {  	_ =	shalt  }
.Lfunc_end0:
.L_simem_size_0:
called_computation_lowered:
.L_overlay_start_0:
0x88: {  	s2 =	sld [smem:$0x3FD9]  }
0x89: {  	s3 =	sld [smem:$0x3FFE];
	_ =	sdelay $0x1  }
0x8a: {  	s1 =	srdreg.scid  }
0x8b: {  	s0 =	sand.u32 $0x1, s1  }
0x8c: {  	s16 =	sshll.u32 s0, $0xA;
	s2 =	sadd.s32 s3, s2  }
0x8d: {  	s2 =	sadd.s32 s2, s16  }
0x8e: {  	[smem:$0x3FC6] =	sst s2  }
0x8f: {  	_ = 	snop  }
0x90: {  	(tm) =	ssettm $0x1  }
0x91: {  	s17 =	sld [smem:$0x3FFB];
	_ =	sdelay $0x3  }
0x92: {  	_ =	strace s17  }
0x93: {  	s2 =	sld [smem:$0x3FFC];
	_ =	sdelay $0x3  }
0x94: {  	_ =	strace s2  }
0x95: {  	s2 =	sld [smem:$0x3FFD];
	_ =	sdelay $0x3  }
0x96: {  	_ =	strace s2  }
0x97: {  	_ =	strace $0x8FFFFFFF  }
0x98: {  	s18 =	sld [smem:$0x3FDB];
	_ =	sdelay $0x1  }
0x99: {  	s19 =	simm.s32 $_scs_section_size  }
0x9a: {  	s4 =	simm.s32 $_size__tile_overlayer_lowered;
	s5 =	simm.s32 $_tile_overlayer_lowered  }
0x9b: {  	s22 =	simm.s32 $0x1BFF;
	s21 =	sshll.u32 s5, $0x1;
	s2 =	sadd.s32 s19, s18  }
0x9c: {  	s6 =	simm.s32 $0x0;
	s20 =	sshll.u32 s4, $0x1;
	s4 =	sadd.s32 s21, s2  }
0x9d: {  	[timem:s6], [sflag:s22] =	dma.local [hbm:s4], s20  }
0x9e: {  	_ =	swait.ge [sflag:s22], s20  }
0x9f: {  	s3 =	ssub.s32 $0x0, s20;
	[sflag:s22] =	ssyncset.done $0x0  }
0xa0: {  	[sflag:s22] =	ssyncadd.s32 s3;
	_ =	sdelay $0x1  }
0xa1: {  	s23 =	simm.s32 $0x1B8B  }
0xa2: {  	_ =	swait.ge [sflag:s23], $0x1  }
0xa3: {  	[sflag:s23] =	ssyncset.done $0x0  }
0xa4: {  	s25 =	simm.s32 $0x1B8E;
	s24 =	sld [smem:$0x3FFE];
	[sflag:s23] =	ssyncadd.s32 $0xFFFFFFFF  }
0xa5: {  	s26 =	simm.s32 $execute0_lowered;
	[smem:$0x3FD2] =	sst s25  }
0xa6: {  	s4 =	sshll.u32 s26, $0x1;
	_ =	strace $0x80000046;
	[dreg:$0x1] =	wrdreg $0xFFFFFFFF  }
0xa7: {  	s28 =	simm.s32 $_size_execute0_lowered;
	s2 =	sadd.s32 s2, s4;
	[dreg:$0x0] =	wrdreg $0x0  }
0xa8: {  	s4 =	sshll.u32 s28, $0x1;
	[dreg:$0x2] =	wrdreg s2  }
0xa9: {  	[dreg:$0x3] =	wrdreg s4  }
0xaa: {  	[dreg:$0x4] =	wrdreg $0xC0  }
0xab: {  	_ =	task [dreg:s6], $0x5FFFF  }
0xac: {  	[dreg:$0x1] =	wrdreg $0xFFFFFFFF  }
0xad: {  	[dreg:$0x0] =	wrdreg $0x60  }
0xae: {  	[dreg:$0x2] =	wrdreg s24  }
0xaf: {  	[dreg:$0x3] =	wrdreg $0x9  }
0xb0: {  	_ =	task.clear_ibuf [dreg:s6], $0x4FFFF;
	_ =	strace $0x90000046  }
0xb1: {  	s29 =	simm.s32 $0x9;
	_ =	strace $0x80000048  }
0xb2: {  	_ =	swait.ge [sflag:s29], $0x1  }
0xb3: {  	[sflag:s29] =	ssyncadd.s32 $0xFFFFFFFF  }
0xb4: {  	_ =	strace $0x90000048  }
0xb5: {  	_ =	sfence  }
0xb6: {  	s30 =	sld [smem:$0x0];
	_ =	sdelay $0x2  }
0xb7: {  	s31 =	sshll.u32 s1, $0xD;
	s1 =	sshrl.u32 s1, $0x2  }
0xb8: {  	s3 =	sand.u32 $0x4000, s31;
	s1 =	sadd.s32 s1, s30  }
0xb9: {  	s0 =	sor.u32 s3, s0;
	s1 =	sshll.u32 s1, $0x11  }
0xba: {  	s0 =	sor.u32 s1, s0  }
0xbb: {  	s0 =	sadd.s32 $0x8F2B, s0  }
0xbc: {  	[sflag:s0] =	ssyncadd.remote.s32 $0x1  }
0xbd: {  	_ =	sfence.sel $0xFFFF  }
0xbe: {  	[dreg:$0x0] =	wrdreg $0xFFFFFFFF;
	(pc) =	sbr.abs _section_cstart, $3  }
0xbf: {  	[dreg:$0x1] =	wrdreg $0xFFFFFFFF  }
0xc0: {  	_ =	task.clear_ibuf [dreg:s6], $0x2FFFF;
	_ =	strace $0x9FFFFFFF  }
0xc1: {  	(tm) =	ssettm $0x7FFFFFFF  }
tec
execute0_lowered:
.L_overlay_start_1:
0x0: {  	(tag) =	ssettag $0x1  }
0x1: {  	s0 =	rddreg [dreg:$0x0];
	s1 =	srdreg.scid  }
0x2: {  	s2 =	simm.s32 $0x0;
	s5 =	stileid.u32;
	s30 =	simm.s32 $0x2000  }
0x3: {  	s31 =	simm.s32 $0xC200;
	s23 =	simm.s32 $0x1D280;
	s24 =	simm.s32 $0x80  }
0x4: {  	s25 =	simm.s32 $0x400;
	s21 =	simm.s32 $0x4;
	s22 =	simm.s32 $0x0  }
0x5: {  	s1 =	sand.u32 $0x1, s1;
	[smem:$0x7FF] =	sst s2;
	s8 =	sadd.s32 $0xC00, s0  }
0x6: {  	s3 =	sshll.u32 s1, $0x4;
	_ =	strace $0x80000047;
	s1 =	ssub.s32 $0x2, s1  }
0x7: {  	s3 =	sor.u32 s5, s3;
	s5 =	sshll.u32 s5, $0x7;
	s6 =	sshrl.u32 s1, $0x1  }
0x8: {  	s4 =	sshll.u32 s3, $0xC;
	s3 =	sshrl.u32 s3, $0x3;
	s26 =	sand.u32 $0x380, s5  }
0x9: {  	s1 =	ssub.s32 s1, s6;
	s17 =	sadd.s32 s4, s0;
	s28 =	sshll.u32 s3, $0xF  }
0xa: {  	s3 =	sshll.u32 s3, $0xA;
	s20 =	smax.u32 s1, $0x1;
	s1 =	simm.s32 $0x3  }
0xb: {  	s5 =	sor.u32 s26, s28;
	s3 =	sor.u32 s26, s3;
	s29 =	sadd.s32 $0x1200, s17  }
0xc: {  	s4 =	sadd.s32 $0x21200, s17;
	s10 =	sadd.s32 $0x21600, s17;
	s11 =	sadd.s32 $0x41600, s17  }
0xd: {  	s12 =	sadd.s32 $0x1A00, s17;
	s13 =	sadd.s32 $0x21A00, s17;
	s14 =	sadd.s32 $0x41A00, s17  }
0xe: {  	s15 =	sadd.s32 $0x1E00, s17;
	s16 =	sadd.s32 $0x21E00, s17;
	s26 =	simm.s32 $0x1  }
0xf: {  	s5 =	sshrl.u32 s5, $0x3;
	[dreg:$0x2] =	wrdreg s29;
	s3 =	sshrl.u32 s3, $0x3  }
0x10: {  	s0 =	sadd.s32 s5, s0;
	s5 =	sadd.s32 $0x41200, s17;
	s7 =	sor.u32 $0x200, s3  }
0x11: {  	s9 =	sor.u32 $0x400, s3;
	s6 =	sadd.s32 s8, s3;
	s7 =	sadd.s32 s8, s7  }
0x12: {  	v1 =	vlaneseq.u32;
	s8 =	sadd.s32 s8, s9;
	s9 =	sadd.s32 $0x1600, s17;
	s17 =	sadd.s32 $0x41E00, s17  }
0x13: {  	v0 =	vimm.f32 $0.0e+00;
	v2 =	vimm.f32 $1.000000000e+00;
	v1 =	vmul.u32 $0x1001, v1;
	s18 =	sadd.s32 $0x61200, s0;
	s19 =	sadd.s32 $0x65200, s0;
	s0 =	simm.s32 $0x2  }
.LBB2_1:
0x14: {  	s3 =	rddreg [dreg:$0x2]  }
0x15: {  	[tilespmem:s2], [sflag:$0x1] =	stream.linear.gather [hbm4b:s3+s2], $0x2000, $0x38;
	[tilespmem:$0x1E280] =	vst v63  }
0x16: {  	_ = 	snop  }
0x17: {  	[tilespmem:s30], [sflag:$0x1] =	stream.linear.gather [hbm4b:s4+s2], $0x2000, $0x38;
	[tilespmem:$0x1E280] =	vst v63  }
0x18: {  	s29 =	simm.s32 $0x4000  }
0x19: {  	[tilespmem:s29], [sflag:$0x1] =	stream.linear.gather [hbm4b:s5+s2], $0x2000, $0x38;
	[tilespmem:$0x1E280] =	vst v63  }
0x1a: {  	s29 =	simm.s32 $0xC000  }
0x1b: {  	[tilespmem:s29], [sflag:$0x3] =	stream.linear.gather [hbm4b:s6+s2], $0x80, $0x38;
	[tilespmem:$0x1E280] =	vst v63  }
0x1c: {  	s29 =	simm.s32 $0xC080  }
0x1d: {  	[tilespmem:s29], [sflag:$0x3] =	stream.linear.gather [hbm4b:s7+s2], $0x80, $0x38;
	[tilespmem:$0x1E280] =	vst v63  }
0x1e: {  	s3 =	simm.s32 $0xC240;
	s29 =	simm.s32 $0xC100  }
0x1f: {  	[tilespmem:s29], [sflag:$0x3] =	stream.linear.gather [hbm4b:s8+s2], $0x80, $0x38;
	[tilespmem:$0x1E280] =	vst v63  }
0x20: {  	[tilespmem:s3+$0xFFFFFFC0] =	vst v0  }
0x21: {  	[tilespmem:s3+$0x30] =	vst v0  }
0x22: {  	[tilespmem:s3+$0x20] =	vst v0  }
0x23: {  	[tilespmem:s3+$0x10] =	vst v0  }
0x24: {  	[tilespmem:s3+$0x0] =	vst v0  }
0x25: {  	[tilespmem:s3+$0xFFFFFFF0] =	vst v0  }
0x26: {  	s28 =	simm.s32 $0x0;
	[tilespmem:s3+$0xFFFFFFE0] =	vst v0  }
.LBB2_2:
0x27: {  	s28 =	sadd.s32 $0x8, s28;
	[tilespmem:s3+$0xFFFFFFD0] =	vst v0;
	s3 =	sadd.s32 $0x80, s3  }
0x28: {  	[tilespmem:s3+$0xFFFFFFC0] =	vst v0;
	p0 =	slt.u32 s28, $0xFF8  }
0x29: {  	[tilespmem:s3+$0x30] =	vst v0  }
.Ltmp0:
0x2a: {  	[tilespmem:s3+$0x20] =	vst v0;
	(pc) =	sbr.rel @p0 .LBB2_2-.Ltmp0, $4  }
0x2b: {  	[tilespmem:s3+$0x10] =	vst v0  }
0x2c: {  	[tilespmem:s3+$0x0] =	vst v0  }
0x2d: {  	[tilespmem:s3+$0xFFFFFFF0] =	vst v0  }
0x2e: {  	[tilespmem:s3+$0xFFFFFFE0] =	vst v0  }
0x2f: {  	[tilespmem:s3+$0xFFFFFFD0] =	vst v0  }
0x30: {  	s3 =	simm.s32 $0x1D2C0;
	[tilespmem:$0x1C200] =	vst v0  }
0x31: {  	[tilespmem:s3+$0xFFFFFFC0] =	vst v0  }
0x32: {  	[tilespmem:s3+$0x30] =	vst v0  }
0x33: {  	[tilespmem:s3+$0x20] =	vst v0  }
0x34: {  	[tilespmem:s3+$0x10] =	vst v0  }
0x35: {  	[tilespmem:s3+$0x0] =	vst v0  }
0x36: {  	[tilespmem:s3+$0xFFFFFFF0] =	vst v0  }
0x37: {  	s28 =	simm.s32 $0x0;
	[tilespmem:s3+$0xFFFFFFE0] =	vst v0  }
.LBB2_4:
0x38: {  	s28 =	sadd.s32 $0x8, s28;
	[tilespmem:s3+$0xFFFFFFD0] =	vst v0;
	s3 =	sadd.s32 $0x80, s3  }
0x39: {  	[tilespmem:s3+$0xFFFFFFC0] =	vst v0;
	p0 =	slt.u32 s28, $0xF8  }
0x3a: {  	[tilespmem:s3+$0x30] =	vst v0  }
.Ltmp1:
0x3b: {  	[tilespmem:s3+$0x20] =	vst v0;
	(pc) =	sbr.rel @p0 .LBB2_4-.Ltmp1, $4  }
0x3c: {  	[tilespmem:s3+$0x10] =	vst v0  }
0x3d: {  	[tilespmem:s3+$0x0] =	vst v0  }
0x3e: {  	[tilespmem:s3+$0xFFFFFFF0] =	vst v0  }
0x3f: {  	[tilespmem:s3+$0xFFFFFFE0] =	vst v0  }
0x40: {  	[tilespmem:s3+$0xFFFFFFD0] =	vst v0  }
0x41: {  	_ =	swait.ge [sflag:s26], $0x2000  }
0x42: {  	[sflag:s26] =	ssyncset.done $0x0  }
0x43: {  	[sflag:s26] =	ssyncadd.s32 $0xFFFFE000  }
0x44: {  	_ =	swait.ge [sflag:s26], $0x2000  }
0x45: {  	[sflag:s26] =	ssyncset.done $0x0  }
0x46: {  	[sflag:s26] =	ssyncadd.s32 $0xFFFFE000  }
0x47: {  	_ =	swait.ge [sflag:s26], $0x2000  }
0x48: {  	[sflag:s26] =	ssyncset.done $0x0  }
0x49: {  	s3 =	simm.s32 $0x0;
	s28 =	simm.s32 $0x6000;
	[sflag:s26] =	ssyncadd.s32 $0xFFFFE000  }
0x4a: {  	[tilespmem:s28], [sflag:$0x2] =	stream.linear.gather [hbm4b:s9+s3], $0x2000, $0x38;
	[tilespmem:$0x1E280] =	vst v63  }
0x4b: {  	s28 =	simm.s32 $0x8000  }
0x4c: {  	[tilespmem:s28], [sflag:$0x2] =	stream.linear.gather [hbm4b:s10+s3], $0x2000, $0x38;
	[tilespmem:$0x1E280] =	vst v63  }
0x4d: {  	s28 =	simm.s32 $0xA000  }
0x4e: {  	[tilespmem:s28], [sflag:$0x2] =	stream.linear.gather [hbm4b:s11+s3], $0x2000, $0x38;
	[tilespmem:$0x1E280] =	vst v63  }
0x4f: {  	v3 =	vld [tilespmem:s3+$0x70]  }
0x50: {  	v4 =	vld [tilespmem:s3+$0x2070]  }
0x51: {  	v5 =	vld [tilespmem:s3+$0x4070]  }
0x52: {  	v6 =	vld [tilespmem:s3+$0x2000]  }
0x53: {  	v9 =	vld [tilespmem:s3+$0x20]  }
0x54: {  	v10 =	vld [tilespmem:s3+$0x2020]  }
0x55: {  	v11 =	vld [tilespmem:s3+$0x30]  }
0x56: {  	v12 =	vld [tilespmem:s3+$0x2030]  }
0x57: {  	v13 =	vld [tilespmem:s3+$0x40]  }
0x58: {  	v16 =	vld [tilespmem:s3+$0x2050]  }
0x59: {  	v17 =	vld [tilespmem:s3+$0x60]  }
0x5a: {  	v18 =	vld [tilespmem:s3+$0x2060]  }
0x5b: {  	v19 =	vld [tilespmem:s3+$0x0]  }
0x5c: {  	v21 =	vld [tilespmem:s3+$0x4010];
	v3 =	vmul.f32 $1.500000000e+01, v3;
	v4 =	vmul.f32 $1.500000000e+01, v4  }
0x5d: {  	v22 =	vld [tilespmem:s3+$0x4020];
	v5 =	vmul.f32 $1.500000000e+01, v5;
	v6 =	vmul.f32 $1.500000000e+01, v6  }
0x5e: {  	v23 =	vld [tilespmem:s3+$0x4030];
	v9 =	vmul.f32 $1.500000000e+01, v9;
	v10 =	vmul.f32 $1.500000000e+01, v10  }
0x5f: {  	v11 =	vmul.f32 $1.500000000e+01, v11;
	v12 =	vmul.f32 $1.500000000e+01, v12  }
0x60: {  	v13 =	vmul.f32 $1.500000000e+01, v13;
	v16 =	vmul.f32 $1.500000000e+01, v16  }
0x61: {  	v17 =	vmul.f32 $1.500000000e+01, v17;
	v18 =	vmul.f32 $1.500000000e+01, v18  }
0x62: {  	v19 =	vmul.f32 $1.500000000e+01, v19;
	v30 =	vmul.f32 $1.500000000e+01, v21  }
0x63: {  	v31 =	vmul.f32 $1.500000000e+01, v22;
	v32 =	vmul.f32 $1.500000000e+01, v23  }
0x64: {  	v3 =	vtrunc.f32 v3;
	v4 =	vtrunc.f32 v4  }
0x65: {  	v5 =	vtrunc.f32 v5;
	v6 =	vtrunc.f32 v6  }
0x66: {  	v7 =	vld [tilespmem:s3+$0x10];
	v9 =	vtrunc.f32 v9;
	v10 =	vtrunc.f32 v10  }
0x67: {  	v8 =	vld [tilespmem:s3+$0x2010];
	v11 =	vtrunc.f32 v11;
	v12 =	vtrunc.f32 v12  }
0x68: {  	v13 =	vtrunc.f32 v13;
	v19 =	vtrunc.f32 v19  }
0x69: {  	v16 =	vtrunc.f32 v16;
	v17 =	vtrunc.f32 v17  }
0x6a: {  	v29 =	vtrunc.f32 v18;
	v3 =	vcvt.f32.s32 v3  }
0x6b: {  	v14 =	vld [tilespmem:s3+$0x2040];
	v4 =	vcvt.f32.s32 v4;
	v15 =	vcvt.f32.s32 v5  }
0x6c: {  	v5 =	vmul.f32 $1.500000000e+01, v7;
	v7 =	vmul.f32 $1.500000000e+01, v8  }
0x6d: {  	v6 =	vcvt.f32.s32 v6;
	v9 =	vcvt.f32.s32 v9  }
0x6e: {  	v24 =	vld [tilespmem:s3+$0x4040];
	v63 =	vcvt.f32.s32 v11;
	v33 =	vcvt.f32.s32 v12  }
0x6f: {  	v8 =	vld [tilespmem:s3+$0x50];
	v23 =	vcvt.f32.s32 v13;
	v21 =	vcvt.f32.s32 v29  }
0x70: {  	v20 =	vtrunc.f32 v5;
	v5 =	vmul.f32 $1.500000000e+01, v14  }
0x71: {  	v14 =	vtrunc.f32 v7;
	v3 =	vshll.u32 v3, $0x8;
	v4 =	vshll.u32 v4, $0x4  }
0x72: {  	v3 =	vadd.s32 v4, v3;
	v4 =	vcvt.f32.s32 v19;
	v14 =	vcvt.f32.s32 v14  }
0x73: {  	v9 =	vshll.u32 v9, $0x8;
	v19 =	vcvt.f32.s32 v10;
	v25 =	vtrunc.f32 v5  }
0x74: {  	v12 =	vshll.u32 v63, $0x8;
	v5 =	vmul.f32 $1.500000000e+01, v24;
	v7 =	vmul.f32 $1.500000000e+01, v8;
	v8 =	vld [tilespmem:s3+$0x4000]  }
0x75: {  	v26 =	vld [tilespmem:s3+$0x4050];
	v3 =	vadd.s32 v15, v3;
	v15 =	vcvt.f32.s32 v20;
	v20 =	vcvt.f32.s32 v17  }
0x76: {  	v17 =	vtrunc.f32 v32;
	v62 =	vadd.s32 v1, v3;
	v27 =	vtrunc.f32 v7;
	v7 =	vld [tilespmem:s3+$0x4060]  }
0x77: {  	v3 =	vshll.u32 v4, $0x8;
	v4 =	vshll.u32 v6, $0x4;
	v18 =	vcvt.f32.s32 v25  }
0x78: {  	v10 =	vshll.u32 v14, $0x4;
	v14 =	vcvt.f32.s32 v16;
	v16 =	vtrunc.f32 v31  }
0x79: {  	v6 =	vshll.u32 v15, $0x8;
	v15 =	vtrunc.f32 v30;
	v28 =	vmul.f32 $1.500000000e+01, v8  }
0x7a: {  	v13 =	vshll.u32 v33, $0x4;
	v22 =	vcvt.f32.s32 v27;
	v8 =	vmul.f32 $1.500000000e+01, v26  }
0x7b: {  	s29 =	simm.s32 $0x80;
	s28 =	simm.s32 $0x0;
	v11 =	vshll.u32 v19, $0x4;
	[tilespmem:v62+s31+$0x0] =	vst.idx.add.f32.msk $0xffff, v2;
	v7 =	vmul.f32 $1.500000000e+01, v7;
	v19 =	vtrunc.f32 v28  }
.LBB2_6:
0x7c: {  	v24 =	vld [tilespmem:s29+$0x70];
	v5 =	vtrunc.f32 v5;
	v23 =	vshll.u32 v23, $0x8;
	v8 =	vtrunc.f32 v8  }
0x7d: {  	s28 =	sadd.s32 $0x8, s28;
	v18 =	vshll.u32 v18, $0x4;
	v22 =	vshll.u32 v22, $0x8;
	v7 =	vtrunc.f32 v7;
	v25 =	vld [tilespmem:s29+$0x2070]  }
0x7e: {  	v14 =	vshll.u32 v14, $0x4;
	v20 =	vshll.u32 v20, $0x8;
	v21 =	vshll.u32 v21, $0x4;
	p0 =	slt.u32 s28, $0x1F8;
	v26 =	vld [tilespmem:s29+$0x4070]  }
0x7f: {  	v19 =	vcvt.f32.s32 v19;
	v3 =	vadd.s32 v4, v3;
	v4 =	vcvt.f32.s32 v15;
	v27 =	vld [tilespmem:s29+$0x2000]  }
0x80: {  	v6 =	vadd.s32 v10, v6;
	v10 =	vcvt.f32.s32 v16;
	v16 =	vcvt.f32.s32 v17;
	v15 =	vld [tilespmem:s29+$0x10]  }
0x81: {  	v9 =	vadd.s32 v11, v9;
	v5 =	vcvt.f32.s32 v5;
	v8 =	vcvt.f32.s32 v8;
	v17 =	vld [tilespmem:s29+$0x2010]  }
0x82: {  	v12 =	vadd.s32 v13, v12;
	v24 =	vmul.f32 $1.500000000e+01, v24;
	v11 =	vld [tilespmem:s29+$0x20];
	v25 =	vmul.f32 $1.500000000e+01, v25  }
0x83: {  	v18 =	vadd.s32 v18, v23;
	v7 =	vcvt.f32.s32 v7;
	v13 =	vld [tilespmem:s29+$0x2020];
	v26 =	vmul.f32 $1.500000000e+01, v26  }
0x84: {  	v14 =	vadd.s32 v14, v22;
	v24 =	vtrunc.f32 v24;
	v23 =	vld [tilespmem:s29+$0x30];
	v25 =	vtrunc.f32 v25  }
0x85: {  	v20 =	vadd.s32 v21, v20;
	v24 =	vcvt.f32.s32 v24;
	v22 =	vld [tilespmem:s29+$0x2030];
	v25 =	vcvt.f32.s32 v25  }
0x86: {  	v3 =	vadd.s32 v19, v3;
	v21 =	vmul.f32 $1.500000000e+01, v27;
	v26 =	vtrunc.f32 v26;
	v27 =	vld [tilespmem:s29+$0x40]  }
0x87: {  	v26 =	vcvt.f32.s32 v26;
	v24 =	vshll.u32 v24, $0x8;
	v19 =	vld [tilespmem:s29+$0x2040];
	v25 =	vshll.u32 v25, $0x4  }
0x88: {  	v15 =	vmul.f32 $1.500000000e+01, v15;
	v17 =	vmul.f32 $1.500000000e+01, v17;
	v28 =	vld [tilespmem:s29+$0x50];
	v24 =	vadd.s32 v25, v24  }
0x89: {  	v11 =	vmul.f32 $1.500000000e+01, v11;
	v13 =	vmul.f32 $1.500000000e+01, v13;
	v25 =	vld [tilespmem:s29+$0x2050];
	v24 =	vadd.s32 v26, v24  }
0x8a: {  	v23 =	vmul.f32 $1.500000000e+01, v23;
	v22 =	vmul.f32 $1.500000000e+01, v22;
	v26 =	vld [tilespmem:s29+$0x60];
	v24 =	vadd.s32 v1, v24  }
0x8b: {  	v4 =	vadd.s32 v4, v6;
	v21 =	vtrunc.f32 v21;
	v27 =	vmul.f32 $1.500000000e+01, v27;
	v29 =	vld [tilespmem:s29+$0x2060]  }
0x8c: {  	v9 =	vadd.s32 v10, v9;
	v15 =	vtrunc.f32 v15;
	v6 =	vld [tilespmem:s29+$0x0];
	v19 =	vmul.f32 $1.500000000e+01, v19  }
0x8d: {  	v12 =	vadd.s32 v16, v12;
	v17 =	vtrunc.f32 v17;
	v10 =	vld [tilespmem:s29+$0x4000];
	v28 =	vmul.f32 $1.500000000e+01, v28  }
0x8e: {  	v5 =	vadd.s32 v5, v18;
	v11 =	vtrunc.f32 v11;
	v16 =	vld [tilespmem:s29+$0x4010];
	v25 =	vmul.f32 $1.500000000e+01, v25  }
0x8f: {  	v8 =	vadd.s32 v8, v14;
	v13 =	vtrunc.f32 v13;
	v18 =	vmul.f32 $1.500000000e+01, v26;
	[tilespmem:v24+s31+$0x0] =	vst.idx.add.f32.msk $0xffff, v2  }
0x90: {  	v7 =	vadd.s32 v7, v20;
	v23 =	vtrunc.f32 v23;
	v14 =	vld [tilespmem:s29+$0x4020];
	v24 =	vmul.f32 $1.500000000e+01, v29  }
0x91: {  	v3 =	vadd.s32 v1, v3;
	v22 =	vtrunc.f32 v22;
	v6 =	vmul.f32 $1.500000000e+01, v6;
	v20 =	vld [tilespmem:s29+$0x4030]  }
0x92: {  	v4 =	vadd.s32 v1, v4;
	v27 =	vtrunc.f32 v27;
	v19 =	vtrunc.f32 v19;
	v26 =	vld [tilespmem:s29+$0x4040]  }
0x93: {  	v9 =	vadd.s32 v1, v9;
	v28 =	vtrunc.f32 v28;
	v6 =	vtrunc.f32 v6;
	v29 =	vld [tilespmem:s29+$0x4050]  }
0x94: {  	v12 =	vadd.s32 v1, v12;
	v25 =	vtrunc.f32 v25;
	v31 =	vtrunc.f32 v18;
	v30 =	vld [tilespmem:s29+$0x4060]  }
0x95: {  	v32 =	vmul.f32 $1.500000000e+01, v10;
	v24 =	vtrunc.f32 v24;
	v10 =	vadd.s32 v1, v5  }
0x96: {  	v16 =	vmul.f32 $1.500000000e+01, v16;
	v33 =	vmul.f32 $1.500000000e+01, v14;
	v14 =	vadd.s32 v1, v8;
	[tilespmem:v3+s31+$0x0] =	vst.idx.add.f32.msk $0xffff, v2  }
0x97: {  	v18 =	vadd.s32 v1, v7;
	v34 =	vmul.f32 $1.500000000e+01, v20;
	v5 =	vmul.f32 $1.500000000e+01, v26;
	[tilespmem:v4+s31+$0x0] =	vst.idx.add.f32.msk $0xffff, v2  }
0x98: {  	v3 =	vcvt.f32.s32 v6;
	v8 =	vmul.f32 $1.500000000e+01, v29;
	[tilespmem:v9+s31+$0x0] =	vst.idx.add.f32.msk $0xffff, v2  }
0x99: {  	v4 =	vcvt.f32.s32 v21;
	v7 =	vmul.f32 $1.500000000e+01, v30;
	[tilespmem:v12+s31+$0x0] =	vst.idx.add.f32.msk $0xffff, v2  }
0x9a: {  	v6 =	vcvt.f32.s32 v15;
	v3 =	vshll.u32 v3, $0x8;
	v9 =	vcvt.f32.s32 v17;
	[tilespmem:v10+s31+$0x0] =	vst.idx.add.f32.msk $0xffff, v2  }
0x9b: {  	v11 =	vcvt.f32.s32 v11;
	v4 =	vshll.u32 v4, $0x4;
	v12 =	vcvt.f32.s32 v13;
	[tilespmem:v14+s31+$0x0] =	vst.idx.add.f32.msk $0xffff, v2  }
0x9c: {  	v26 =	vcvt.f32.s32 v22;
	v6 =	vshll.u32 v6, $0x8;
	v13 =	vcvt.f32.s32 v23;
	[tilespmem:v18+s31+$0x0] =	vst.idx.add.f32.msk $0xffff, v2  }
.Ltmp2:
0x9d: {  	v23 =	vcvt.f32.s32 v27;
	v10 =	vshll.u32 v9, $0x4;
	v18 =	vcvt.f32.s32 v19;
	(pc) =	sbr.rel @p0 .LBB2_6-.Ltmp2, $4  }
0x9e: {  	v22 =	vcvt.f32.s32 v28;
	v9 =	vshll.u32 v11, $0x8;
	v14 =	vcvt.f32.s32 v25  }
0x9f: {  	v20 =	vcvt.f32.s32 v31;
	v21 =	vcvt.f32.s32 v24;
	v11 =	vshll.u32 v12, $0x4  }
0xa0: {  	v15 =	vtrunc.f32 v16;
	v12 =	vshll.u32 v13, $0x8;
	v19 =	vtrunc.f32 v32  }
0xa1: {  	s29 =	sadd.s32 $0x80, s29;
	v16 =	vtrunc.f32 v33;
	v17 =	vtrunc.f32 v34;
	v13 =	vshll.u32 v26, $0x4  }
0xa2: {  	v5 =	vtrunc.f32 v5  }
0xa3: {  	v23 =	vshll.u32 v23, $0x8;
	v8 =	vtrunc.f32 v8;
	v18 =	vshll.u32 v18, $0x4  }
0xa4: {  	v22 =	vshll.u32 v22, $0x8;
	v7 =	vtrunc.f32 v7;
	v14 =	vshll.u32 v14, $0x4  }
0xa5: {  	v20 =	vshll.u32 v20, $0x8;
	v21 =	vshll.u32 v21, $0x4;
	v19 =	vcvt.f32.s32 v19  }
0xa6: {  	v3 =	vadd.s32 v4, v3;
	v4 =	vcvt.f32.s32 v15;
	v6 =	vadd.s32 v10, v6  }
0xa7: {  	v10 =	vcvt.f32.s32 v16;
	v15 =	vcvt.f32.s32 v17;
	v9 =	vadd.s32 v11, v9  }
0xa8: {  	v11 =	vadd.s32 v13, v12;
	v5 =	vcvt.f32.s32 v5;
	v3 =	vadd.s32 v19, v3  }
0xa9: {  	v8 =	vcvt.f32.s32 v8;
	v4 =	vadd.s32 v4, v6;
	v3 =	vadd.s32 v1, v3  }
0xaa: {  	v7 =	vcvt.f32.s32 v7;
	v9 =	vadd.s32 v10, v9;
	v4 =	vadd.s32 v1, v4  }
0xab: {  	v6 =	vadd.s32 v18, v23;
	v10 =	vadd.s32 v15, v11;
	v9 =	vadd.s32 v1, v9  }
0xac: {  	v11 =	vadd.s32 v14, v22;
	v5 =	vadd.s32 v5, v6;
	v6 =	vadd.s32 v1, v10  }
0xad: {  	v10 =	vadd.s32 v21, v20;
	v8 =	vadd.s32 v8, v11;
	v5 =	vadd.s32 v1, v5  }
0xae: {  	v7 =	vadd.s32 v7, v10;
	[tilespmem:v3+s31+$0x0] =	vst.idx.add.f32.msk $0xffff, v2;
	v3 =	vadd.s32 v1, v8  }
0xaf: {  	[tilespmem:v4+s31+$0x0] =	vst.idx.add.f32.msk $0xffff, v2;
	v4 =	vadd.s32 v1, v7  }
0xb0: {  	[tilespmem:v9+s31+$0x0] =	vst.idx.add.f32.msk $0xffff, v2  }
0xb1: {  	[tilespmem:v6+s31+$0x0] =	vst.idx.add.f32.msk $0xffff, v2  }
0xb2: {  	[tilespmem:v5+s31+$0x0] =	vst.idx.add.f32.msk $0xffff, v2  }
0xb3: {  	[tilespmem:v3+s31+$0x0] =	vst.idx.add.f32.msk $0xffff, v2  }
0xb4: {  	[tilespmem:v4+s31+$0x0] =	vst.idx.add.f32.msk $0xffff, v2  }
0xb5: {  	_ =	swait.ge [sflag:s0], $0x2000  }
0xb6: {  	[sflag:s0] =	ssyncset.done $0x0  }
0xb7: {  	[sflag:s0] =	ssyncadd.s32 $0xFFFFE000  }
0xb8: {  	_ =	swait.ge [sflag:s0], $0x2000  }
0xb9: {  	[sflag:s0] =	ssyncset.done $0x0  }
0xba: {  	[sflag:s0] =	ssyncadd.s32 $0xFFFFE000  }
0xbb: {  	_ =	swait.ge [sflag:s0], $0x2000  }
0xbc: {  	[sflag:s0] =	ssyncset.done $0x0  }
0xbd: {  	[sflag:s0] =	ssyncadd.s32 $0xFFFFE000  }
0xbe: {  	[tilespmem:s2], [sflag:$0x1] =	stream.linear.gather [hbm4b:s12+s2], $0x2000, $0x38;
	[tilespmem:$0x1E280] =	vst v63  }
0xbf: {  	_ = 	snop  }
0xc0: {  	[tilespmem:s30], [sflag:$0x1] =	stream.linear.gather [hbm4b:s13+s2], $0x2000, $0x38;
	[tilespmem:$0x1E280] =	vst v63  }
0xc1: {  	s3 =	simm.s32 $0x4000;
	s30 =	simm.s32 $0xA070  }
0xc2: {  	[tilespmem:s3], [sflag:$0x1] =	stream.linear.gather [hbm4b:s14+s2], $0x2000, $0x38;
	[tilespmem:$0x1E280] =	vst v63  }
0xc3: {  	v3 =	vld [tilespmem:s30+$0xFFFFC000]  }
0xc4: {  	v4 =	vld [tilespmem:s30+$0xFFFFE000]  }
0xc5: {  	v5 =	vld [tilespmem:s30+$0x0]  }
0xc6: {  	v6 =	vld [tilespmem:s30+$0xFFFFDF90]  }
0xc7: {  	v9 =	vld [tilespmem:s30+$0xFFFFBFB0]  }
0xc8: {  	v10 =	vld [tilespmem:s30+$0xFFFFDFB0]  }
0xc9: {  	v11 =	vld [tilespmem:s30+$0xFFFFBFC0]  }
0xca: {  	v12 =	vld [tilespmem:s30+$0xFFFFDFC0]  }
0xcb: {  	v13 =	vld [tilespmem:s30+$0xFFFFBFD0]  }
0xcc: {  	v16 =	vld [tilespmem:s30+$0xFFFFDFE0]  }
0xcd: {  	v17 =	vld [tilespmem:s30+$0xFFFFBFF0]  }
0xce: {  	v18 =	vld [tilespmem:s30+$0xFFFFDFF0]  }
0xcf: {  	v19 =	vld [tilespmem:s30+$0xFFFFBF90]  }
0xd0: {  	v21 =	vld [tilespmem:s30+$0xFFFFFFA0];
	v3 =	vmul.f32 $1.500000000e+01, v3;
	v4 =	vmul.f32 $1.500000000e+01, v4  }
0xd1: {  	v22 =	vld [tilespmem:s30+$0xFFFFFFB0];
	v5 =	vmul.f32 $1.500000000e+01, v5;
	v6 =	vmul.f32 $1.500000000e+01, v6  }
0xd2: {  	v23 =	vld [tilespmem:s30+$0xFFFFFFC0];
	v9 =	vmul.f32 $1.500000000e+01, v9;
	v10 =	vmul.f32 $1.500000000e+01, v10  }
0xd3: {  	v11 =	vmul.f32 $1.500000000e+01, v11;
	v12 =	vmul.f32 $1.500000000e+01, v12  }
0xd4: {  	v13 =	vmul.f32 $1.500000000e+01, v13;
	v16 =	vmul.f32 $1.500000000e+01, v16  }
0xd5: {  	v17 =	vmul.f32 $1.500000000e+01, v17;
	v18 =	vmul.f32 $1.500000000e+01, v18  }
0xd6: {  	v19 =	vmul.f32 $1.500000000e+01, v19;
	v30 =	vmul.f32 $1.500000000e+01, v21  }
0xd7: {  	v31 =	vmul.f32 $1.500000000e+01, v22;
	v32 =	vmul.f32 $1.500000000e+01, v23  }
0xd8: {  	v3 =	vtrunc.f32 v3;
	v4 =	vtrunc.f32 v4  }
0xd9: {  	v5 =	vtrunc.f32 v5;
	v6 =	vtrunc.f32 v6  }
0xda: {  	v7 =	vld [tilespmem:s30+$0xFFFFBFA0];
	v9 =	vtrunc.f32 v9;
	v10 =	vtrunc.f32 v10  }
0xdb: {  	v8 =	vld [tilespmem:s30+$0xFFFFDFA0];
	v11 =	vtrunc.f32 v11;
	v12 =	vtrunc.f32 v12  }
0xdc: {  	v13 =	vtrunc.f32 v13;
	v19 =	vtrunc.f32 v19  }
0xdd: {  	v16 =	vtrunc.f32 v16;
	v17 =	vtrunc.f32 v17  }
0xde: {  	v29 =	vtrunc.f32 v18;
	v3 =	vcvt.f32.s32 v3  }
0xdf: {  	v14 =	vld [tilespmem:s30+$0xFFFFDFD0];
	v4 =	vcvt.f32.s32 v4;
	v15 =	vcvt.f32.s32 v5  }
0xe0: {  	v5 =	vmul.f32 $1.500000000e+01, v7;
	v7 =	vmul.f32 $1.500000000e+01, v8  }
0xe1: {  	v6 =	vcvt.f32.s32 v6;
	v9 =	vcvt.f32.s32 v9  }
0xe2: {  	v24 =	vld [tilespmem:s30+$0xFFFFFFD0];
	v63 =	vcvt.f32.s32 v11;
	v33 =	vcvt.f32.s32 v12  }
0xe3: {  	v8 =	vld [tilespmem:s30+$0xFFFFBFE0];
	v23 =	vcvt.f32.s32 v13;
	v21 =	vcvt.f32.s32 v29  }
0xe4: {  	v20 =	vtrunc.f32 v5;
	v5 =	vmul.f32 $1.500000000e+01, v14  }
0xe5: {  	v14 =	vtrunc.f32 v7;
	v3 =	vshll.u32 v3, $0x8;
	v4 =	vshll.u32 v4, $0x4  }
0xe6: {  	v3 =	vadd.s32 v4, v3;
	v4 =	vcvt.f32.s32 v19;
	v14 =	vcvt.f32.s32 v14  }
0xe7: {  	v9 =	vshll.u32 v9, $0x8;
	v19 =	vcvt.f32.s32 v10;
	v25 =	vtrunc.f32 v5  }
0xe8: {  	v12 =	vshll.u32 v63, $0x8;
	v5 =	vmul.f32 $1.500000000e+01, v24;
	v7 =	vmul.f32 $1.500000000e+01, v8;
	v8 =	vld [tilespmem:s30+$0xFFFFFF90]  }
0xe9: {  	v26 =	vld [tilespmem:s30+$0xFFFFFFE0];
	v3 =	vadd.s32 v15, v3;
	v15 =	vcvt.f32.s32 v20;
	v20 =	vcvt.f32.s32 v17  }
0xea: {  	v17 =	vtrunc.f32 v32;
	v62 =	vadd.s32 v1, v3;
	v27 =	vtrunc.f32 v7;
	v7 =	vld [tilespmem:s30+$0xFFFFFFF0]  }
0xeb: {  	v3 =	vshll.u32 v4, $0x8;
	v4 =	vshll.u32 v6, $0x4;
	v18 =	vcvt.f32.s32 v25  }
0xec: {  	v10 =	vshll.u32 v14, $0x4;
	v14 =	vcvt.f32.s32 v16;
	v16 =	vtrunc.f32 v31  }
0xed: {  	v6 =	vshll.u32 v15, $0x8;
	v15 =	vtrunc.f32 v30;
	v28 =	vmul.f32 $1.500000000e+01, v8  }
0xee: {  	v13 =	vshll.u32 v33, $0x4;
	v22 =	vcvt.f32.s32 v27;
	v8 =	vmul.f32 $1.500000000e+01, v26  }
0xef: {  	s28 =	simm.s32 $0x0;
	s29 =	simm.s32 $0xA0F0;
	v11 =	vshll.u32 v19, $0x4;
	[tilespmem:v62+s31+$0x0] =	vst.idx.add.f32.msk $0xffff, v2;
	v7 =	vmul.f32 $1.500000000e+01, v7;
	v19 =	vtrunc.f32 v28  }
.LBB2_8:
0xf0: {  	v24 =	vld [tilespmem:s29+$0xFFFFC000];
	v5 =	vtrunc.f32 v5;
	v23 =	vshll.u32 v23, $0x8;
	v8 =	vtrunc.f32 v8  }
0xf1: {  	s28 =	sadd.s32 $0x8, s28;
	v18 =	vshll.u32 v18, $0x4;
	v22 =	vshll.u32 v22, $0x8;
	v7 =	vtrunc.f32 v7;
	v25 =	vld [tilespmem:s29+$0xFFFFE000]  }
0xf2: {  	v14 =	vshll.u32 v14, $0x4;
	v20 =	vshll.u32 v20, $0x8;
	v21 =	vshll.u32 v21, $0x4;
	p0 =	slt.u32 s28, $0x1F8;
	v26 =	vld [tilespmem:s29+$0x0]  }
0xf3: {  	v19 =	vcvt.f32.s32 v19;
	v3 =	vadd.s32 v4, v3;
	v4 =	vcvt.f32.s32 v15;
	v27 =	vld [tilespmem:s29+$0xFFFFDF90]  }
0xf4: {  	v6 =	vadd.s32 v10, v6;
	v10 =	vcvt.f32.s32 v16;
	v16 =	vcvt.f32.s32 v17;
	v15 =	vld [tilespmem:s29+$0xFFFFBFA0]  }
0xf5: {  	v9 =	vadd.s32 v11, v9;
	v5 =	vcvt.f32.s32 v5;
	v8 =	vcvt.f32.s32 v8;
	v17 =	vld [tilespmem:s29+$0xFFFFDFA0]  }
0xf6: {  	v12 =	vadd.s32 v13, v12;
	v24 =	vmul.f32 $1.500000000e+01, v24;
	v11 =	vld [tilespmem:s29+$0xFFFFBFB0];
	v25 =	vmul.f32 $1.500000000e+01, v25  }
0xf7: {  	v18 =	vadd.s32 v18, v23;
	v7 =	vcvt.f32.s32 v7;
	v13 =	vld [tilespmem:s29+$0xFFFFDFB0];
	v26 =	vmul.f32 $1.500000000e+01, v26  }
0xf8: {  	v14 =	vadd.s32 v14, v22;
	v24 =	vtrunc.f32 v24;
	v23 =	vld [tilespmem:s29+$0xFFFFBFC0];
	v25 =	vtrunc.f32 v25  }
0xf9: {  	v20 =	vadd.s32 v21, v20;
	v24 =	vcvt.f32.s32 v24;
	v22 =	vld [tilespmem:s29+$0xFFFFDFC0];
	v25 =	vcvt.f32.s32 v25  }
0xfa: {  	v3 =	vadd.s32 v19, v3;
	v21 =	vmul.f32 $1.500000000e+01, v27;
	v26 =	vtrunc.f32 v26;
	v27 =	vld [tilespmem:s29+$0xFFFFBFD0]  }
0xfb: {  	v26 =	vcvt.f32.s32 v26;
	v24 =	vshll.u32 v24, $0x8;
	v19 =	vld [tilespmem:s29+$0xFFFFDFD0];
	v25 =	vshll.u32 v25, $0x4  }
0xfc: {  	v15 =	vmul.f32 $1.500000000e+01, v15;
	v17 =	vmul.f32 $1.500000000e+01, v17;
	v28 =	vld [tilespmem:s29+$0xFFFFBFE0];
	v24 =	vadd.s32 v25, v24  }
0xfd: {  	v11 =	vmul.f32 $1.500000000e+01, v11;
	v13 =	vmul.f32 $1.500000000e+01, v13;
	v25 =	vld [tilespmem:s29+$0xFFFFDFE0];
	v24 =	vadd.s32 v26, v24  }
0xfe: {  	v23 =	vmul.f32 $1.500000000e+01, v23;
	v22 =	vmul.f32 $1.500000000e+01, v22;
	v26 =	vld [tilespmem:s29+$0xFFFFBFF0];
	v24 =	vadd.s32 v1, v24  }
0xff: {  	v4 =	vadd.s32 v4, v6;
	v21 =	vtrunc.f32 v21;
	v27 =	vmul.f32 $1.500000000e+01, v27;
	v29 =	vld [tilespmem:s29+$0xFFFFDFF0]  }
0x100: {  	v9 =	vadd.s32 v10, v9;
	v15 =	vtrunc.f32 v15;
	v6 =	vld [tilespmem:s29+$0xFFFFBF90];
	v19 =	vmul.f32 $1.500000000e+01, v19  }
0x101: {  	v12 =	vadd.s32 v16, v12;
	v17 =	vtrunc.f32 v17;
	v10 =	vld [tilespmem:s29+$0xFFFFFF90];
	v28 =	vmul.f32 $1.500000000e+01, v28  }
0x102: {  	v5 =	vadd.s32 v5, v18;
	v11 =	vtrunc.f32 v11;
	v16 =	vld [tilespmem:s29+$0xFFFFFFA0];
	v25 =	vmul.f32 $1.500000000e+01, v25  }
0x103: {  	v8 =	vadd.s32 v8, v14;
	v13 =	vtrunc.f32 v13;
	v18 =	vmul.f32 $1.500000000e+01, v26;
	[tilespmem:v24+s31+$0x0] =	vst.idx.add.f32.msk $0xffff, v2  }
0x104: {  	v7 =	vadd.s32 v7, v20;
	v23 =	vtrunc.f32 v23;
	v14 =	vld [tilespmem:s29+$0xFFFFFFB0];
	v24 =	vmul.f32 $1.500000000e+01, v29  }
0x105: {  	v3 =	vadd.s32 v1, v3;
	v22 =	vtrunc.f32 v22;
	v6 =	vmul.f32 $1.500000000e+01, v6;
	v20 =	vld [tilespmem:s29+$0xFFFFFFC0]  }
0x106: {  	v4 =	vadd.s32 v1, v4;
	v27 =	vtrunc.f32 v27;
	v19 =	vtrunc.f32 v19;
	v26 =	vld [tilespmem:s29+$0xFFFFFFD0]  }
0x107: {  	v9 =	vadd.s32 v1, v9;
	v28 =	vtrunc.f32 v28;
	v6 =	vtrunc.f32 v6;
	v29 =	vld [tilespmem:s29+$0xFFFFFFE0]  }
0x108: {  	v12 =	vadd.s32 v1, v12;
	v25 =	vtrunc.f32 v25;
	v31 =	vtrunc.f32 v18;
	v30 =	vld [tilespmem:s29+$0xFFFFFFF0]  }
0x109: {  	v32 =	vmul.f32 $1.500000000e+01, v10;
	v24 =	vtrunc.f32 v24;
	v10 =	vadd.s32 v1, v5  }
0x10a: {  	v16 =	vmul.f32 $1.500000000e+01, v16;
	v33 =	vmul.f32 $1.500000000e+01, v14;
	v14 =	vadd.s32 v1, v8;
	[tilespmem:v3+s31+$0x0] =	vst.idx.add.f32.msk $0xffff, v2  }
0x10b: {  	v18 =	vadd.s32 v1, v7;
	v34 =	vmul.f32 $1.500000000e+01, v20;
	v5 =	vmul.f32 $1.500000000e+01, v26;
	[tilespmem:v4+s31+$0x0] =	vst.idx.add.f32.msk $0xffff, v2  }
0x10c: {  	v3 =	vcvt.f32.s32 v6;
	v8 =	vmul.f32 $1.500000000e+01, v29;
	[tilespmem:v9+s31+$0x0] =	vst.idx.add.f32.msk $0xffff, v2  }
0x10d: {  	v4 =	vcvt.f32.s32 v21;
	v7 =	vmul.f32 $1.500000000e+01, v30;
	[tilespmem:v12+s31+$0x0] =	vst.idx.add.f32.msk $0xffff, v2  }
0x10e: {  	v6 =	vcvt.f32.s32 v15;
	v3 =	vshll.u32 v3, $0x8;
	v9 =	vcvt.f32.s32 v17;
	[tilespmem:v10+s31+$0x0] =	vst.idx.add.f32.msk $0xffff, v2  }
0x10f: {  	v11 =	vcvt.f32.s32 v11;
	v4 =	vshll.u32 v4, $0x4;
	v12 =	vcvt.f32.s32 v13;
	[tilespmem:v14+s31+$0x0] =	vst.idx.add.f32.msk $0xffff, v2  }
0x110: {  	v26 =	vcvt.f32.s32 v22;
	v6 =	vshll.u32 v6, $0x8;
	v13 =	vcvt.f32.s32 v23;
	[tilespmem:v18+s31+$0x0] =	vst.idx.add.f32.msk $0xffff, v2  }
.Ltmp3:
0x111: {  	v23 =	vcvt.f32.s32 v27;
	v10 =	vshll.u32 v9, $0x4;
	v18 =	vcvt.f32.s32 v19;
	(pc) =	sbr.rel @p0 .LBB2_8-.Ltmp3, $4  }
0x112: {  	v22 =	vcvt.f32.s32 v28;
	v9 =	vshll.u32 v11, $0x8;
	v14 =	vcvt.f32.s32 v25  }
0x113: {  	v20 =	vcvt.f32.s32 v31;
	v21 =	vcvt.f32.s32 v24;
	v11 =	vshll.u32 v12, $0x4  }
0x114: {  	v15 =	vtrunc.f32 v16;
	v12 =	vshll.u32 v13, $0x8;
	v19 =	vtrunc.f32 v32  }
0x115: {  	s29 =	sadd.s32 $0x80, s29;
	v16 =	vtrunc.f32 v33;
	v17 =	vtrunc.f32 v34;
	v13 =	vshll.u32 v26, $0x4  }
0x116: {  	v5 =	vtrunc.f32 v5  }
0x117: {  	v23 =	vshll.u32 v23, $0x8;
	v8 =	vtrunc.f32 v8;
	v18 =	vshll.u32 v18, $0x4  }
0x118: {  	v22 =	vshll.u32 v22, $0x8;
	v7 =	vtrunc.f32 v7;
	v14 =	vshll.u32 v14, $0x4  }
0x119: {  	v20 =	vshll.u32 v20, $0x8;
	v21 =	vshll.u32 v21, $0x4;
	v19 =	vcvt.f32.s32 v19  }
0x11a: {  	v3 =	vadd.s32 v4, v3;
	v4 =	vcvt.f32.s32 v15;
	v6 =	vadd.s32 v10, v6  }
0x11b: {  	v10 =	vcvt.f32.s32 v16;
	v15 =	vcvt.f32.s32 v17;
	v9 =	vadd.s32 v11, v9  }
0x11c: {  	v11 =	vadd.s32 v13, v12;
	v5 =	vcvt.f32.s32 v5;
	v3 =	vadd.s32 v19, v3  }
0x11d: {  	v8 =	vcvt.f32.s32 v8;
	v4 =	vadd.s32 v4, v6;
	v3 =	vadd.s32 v1, v3  }
0x11e: {  	v7 =	vcvt.f32.s32 v7;
	v9 =	vadd.s32 v10, v9;
	v4 =	vadd.s32 v1, v4  }
0x11f: {  	v6 =	vadd.s32 v18, v23;
	v10 =	vadd.s32 v15, v11;
	v9 =	vadd.s32 v1, v9  }
0x120: {  	v11 =	vadd.s32 v14, v22;
	v5 =	vadd.s32 v5, v6;
	v6 =	vadd.s32 v1, v10  }
0x121: {  	v10 =	vadd.s32 v21, v20;
	v8 =	vadd.s32 v8, v11;
	v5 =	vadd.s32 v1, v5  }
0x122: {  	v7 =	vadd.s32 v7, v10;
	[tilespmem:v3+s31+$0x0] =	vst.idx.add.f32.msk $0xffff, v2;
	v3 =	vadd.s32 v1, v8  }
0x123: {  	[tilespmem:v4+s31+$0x0] =	vst.idx.add.f32.msk $0xffff, v2;
	v4 =	vadd.s32 v1, v7  }
0x124: {  	[tilespmem:v9+s31+$0x0] =	vst.idx.add.f32.msk $0xffff, v2  }
0x125: {  	[tilespmem:v6+s31+$0x0] =	vst.idx.add.f32.msk $0xffff, v2  }
0x126: {  	[tilespmem:v5+s31+$0x0] =	vst.idx.add.f32.msk $0xffff, v2  }
0x127: {  	[tilespmem:v3+s31+$0x0] =	vst.idx.add.f32.msk $0xffff, v2  }
0x128: {  	[tilespmem:v4+s31+$0x0] =	vst.idx.add.f32.msk $0xffff, v2  }
0x129: {  	_ =	swait.ge [sflag:s26], $0x2000  }
0x12a: {  	[sflag:s26] =	ssyncset.done $0x0  }
0x12b: {  	[sflag:s26] =	ssyncadd.s32 $0xFFFFE000  }
0x12c: {  	_ =	swait.ge [sflag:s26], $0x2000  }
0x12d: {  	[sflag:s26] =	ssyncset.done $0x0  }
0x12e: {  	[sflag:s26] =	ssyncadd.s32 $0xFFFFE000  }
0x12f: {  	_ =	swait.ge [sflag:s26], $0x2000  }
0x130: {  	[sflag:s26] =	ssyncset.done $0x0  }
0x131: {  	s3 =	simm.s32 $0x0;
	s28 =	simm.s32 $0x6000;
	[sflag:s26] =	ssyncadd.s32 $0xFFFFE000  }
0x132: {  	[tilespmem:s28], [sflag:$0x2] =	stream.linear.gather [hbm4b:s15+s3], $0x2000, $0x38;
	[tilespmem:$0x1E280] =	vst v63  }
0x133: {  	s28 =	simm.s32 $0x8000  }
0x134: {  	[tilespmem:s28], [sflag:$0x2] =	stream.linear.gather [hbm4b:s16+s3], $0x2000, $0x38;
	[tilespmem:$0x1E280] =	vst v63  }
0x135: {  	s28 =	simm.s32 $0xA000  }
0x136: {  	[tilespmem:s28], [sflag:$0x2] =	stream.linear.gather [hbm4b:s17+s3], $0x2000, $0x38;
	[tilespmem:$0x1E280] =	vst v63  }
0x137: {  	v3 =	vld [tilespmem:s3+$0x70]  }
0x138: {  	v4 =	vld [tilespmem:s3+$0x2070]  }
0x139: {  	v5 =	vld [tilespmem:s3+$0x4070]  }
0x13a: {  	v6 =	vld [tilespmem:s3+$0x2000]  }
0x13b: {  	v9 =	vld [tilespmem:s3+$0x20]  }
0x13c: {  	v10 =	vld [tilespmem:s3+$0x2020]  }
0x13d: {  	v11 =	vld [tilespmem:s3+$0x30]  }
0x13e: {  	v12 =	vld [tilespmem:s3+$0x2030]  }
0x13f: {  	v13 =	vld [tilespmem:s3+$0x40]  }
0x140: {  	v16 =	vld [tilespmem:s3+$0x2050]  }
0x141: {  	v17 =	vld [tilespmem:s3+$0x60]  }
0x142: {  	v18 =	vld [tilespmem:s3+$0x2060]  }
0x143: {  	v19 =	vld [tilespmem:s3+$0x0]  }
0x144: {  	v21 =	vld [tilespmem:s3+$0x4010];
	v3 =	vmul.f32 $1.500000000e+01, v3;
	v4 =	vmul.f32 $1.500000000e+01, v4  }
0x145: {  	v22 =	vld [tilespmem:s3+$0x4020];
	v5 =	vmul.f32 $1.500000000e+01, v5;
	v6 =	vmul.f32 $1.500000000e+01, v6  }
0x146: {  	v23 =	vld [tilespmem:s3+$0x4030];
	v9 =	vmul.f32 $1.500000000e+01, v9;
	v10 =	vmul.f32 $1.500000000e+01, v10  }
0x147: {  	v11 =	vmul.f32 $1.500000000e+01, v11;
	v12 =	vmul.f32 $1.500000000e+01, v12  }
0x148: {  	v13 =	vmul.f32 $1.500000000e+01, v13;
	v16 =	vmul.f32 $1.500000000e+01, v16  }
0x149: {  	v17 =	vmul.f32 $1.500000000e+01, v17;
	v18 =	vmul.f32 $1.500000000e+01, v18  }
0x14a: {  	v19 =	vmul.f32 $1.500000000e+01, v19;
	v30 =	vmul.f32 $1.500000000e+01, v21  }
0x14b: {  	v31 =	vmul.f32 $1.500000000e+01, v22;
	v32 =	vmul.f32 $1.500000000e+01, v23  }
0x14c: {  	v3 =	vtrunc.f32 v3;
	v4 =	vtrunc.f32 v4  }
0x14d: {  	v5 =	vtrunc.f32 v5;
	v6 =	vtrunc.f32 v6  }
0x14e: {  	v7 =	vld [tilespmem:s3+$0x10];
	v9 =	vtrunc.f32 v9;
	v10 =	vtrunc.f32 v10  }
0x14f: {  	v8 =	vld [tilespmem:s3+$0x2010];
	v11 =	vtrunc.f32 v11;
	v12 =	vtrunc.f32 v12  }
0x150: {  	v13 =	vtrunc.f32 v13;
	v19 =	vtrunc.f32 v19  }
0x151: {  	v16 =	vtrunc.f32 v16;
	v17 =	vtrunc.f32 v17  }
0x152: {  	v29 =	vtrunc.f32 v18;
	v3 =	vcvt.f32.s32 v3  }
0x153: {  	v14 =	vld [tilespmem:s3+$0x2040];
	v4 =	vcvt.f32.s32 v4;
	v15 =	vcvt.f32.s32 v5  }
0x154: {  	v5 =	vmul.f32 $1.500000000e+01, v7;
	v7 =	vmul.f32 $1.500000000e+01, v8  }
0x155: {  	v6 =	vcvt.f32.s32 v6;
	v9 =	vcvt.f32.s32 v9  }
0x156: {  	v24 =	vld [tilespmem:s3+$0x4040];
	v63 =	vcvt.f32.s32 v11;
	v33 =	vcvt.f32.s32 v12  }
0x157: {  	v8 =	vld [tilespmem:s3+$0x50];
	v23 =	vcvt.f32.s32 v13;
	v21 =	vcvt.f32.s32 v29  }
0x158: {  	v20 =	vtrunc.f32 v5;
	v5 =	vmul.f32 $1.500000000e+01, v14  }
0x159: {  	v14 =	vtrunc.f32 v7;
	v3 =	vshll.u32 v3, $0x8;
	v4 =	vshll.u32 v4, $0x4  }
0x15a: {  	v3 =	vadd.s32 v4, v3;
	v4 =	vcvt.f32.s32 v19;
	v14 =	vcvt.f32.s32 v14  }
0x15b: {  	v9 =	vshll.u32 v9, $0x8;
	v19 =	vcvt.f32.s32 v10;
	v25 =	vtrunc.f32 v5  }
0x15c: {  	v12 =	vshll.u32 v63, $0x8;
	v5 =	vmul.f32 $1.500000000e+01, v24;
	v7 =	vmul.f32 $1.500000000e+01, v8;
	v8 =	vld [tilespmem:s3+$0x4000]  }
0x15d: {  	v26 =	vld [tilespmem:s3+$0x4050];
	v3 =	vadd.s32 v15, v3;
	v15 =	vcvt.f32.s32 v20;
	v20 =	vcvt.f32.s32 v17  }
0x15e: {  	v17 =	vtrunc.f32 v32;
	v62 =	vadd.s32 v1, v3;
	v27 =	vtrunc.f32 v7;
	v7 =	vld [tilespmem:s3+$0x4060]  }
0x15f: {  	v3 =	vshll.u32 v4, $0x8;
	v4 =	vshll.u32 v6, $0x4;
	v18 =	vcvt.f32.s32 v25  }
0x160: {  	v10 =	vshll.u32 v14, $0x4;
	v14 =	vcvt.f32.s32 v16;
	v16 =	vtrunc.f32 v31  }
0x161: {  	v6 =	vshll.u32 v15, $0x8;
	v15 =	vtrunc.f32 v30;
	v28 =	vmul.f32 $1.500000000e+01, v8  }
0x162: {  	v13 =	vshll.u32 v33, $0x4;
	v22 =	vcvt.f32.s32 v27;
	v8 =	vmul.f32 $1.500000000e+01, v26  }
0x163: {  	s29 =	simm.s32 $0x80;
	s28 =	simm.s32 $0x0;
	v11 =	vshll.u32 v19, $0x4;
	[tilespmem:v62+s31+$0x0] =	vst.idx.add.f32.msk $0xffff, v2;
	v7 =	vmul.f32 $1.500000000e+01, v7;
	v19 =	vtrunc.f32 v28  }
.LBB2_10:
0x164: {  	v24 =	vld [tilespmem:s29+$0x70];
	v5 =	vtrunc.f32 v5;
	v23 =	vshll.u32 v23, $0x8;
	v8 =	vtrunc.f32 v8  }
0x165: {  	s28 =	sadd.s32 $0x8, s28;
	v18 =	vshll.u32 v18, $0x4;
	v22 =	vshll.u32 v22, $0x8;
	v7 =	vtrunc.f32 v7;
	v25 =	vld [tilespmem:s29+$0x2070]  }
0x166: {  	v14 =	vshll.u32 v14, $0x4;
	v20 =	vshll.u32 v20, $0x8;
	v21 =	vshll.u32 v21, $0x4;
	p0 =	slt.u32 s28, $0x1F8;
	v26 =	vld [tilespmem:s29+$0x4070]  }
0x167: {  	v19 =	vcvt.f32.s32 v19;
	v3 =	vadd.s32 v4, v3;
	v4 =	vcvt.f32.s32 v15;
	v27 =	vld [tilespmem:s29+$0x2000]  }
0x168: {  	v6 =	vadd.s32 v10, v6;
	v10 =	vcvt.f32.s32 v16;
	v16 =	vcvt.f32.s32 v17;
	v15 =	vld [tilespmem:s29+$0x10]  }
0x169: {  	v9 =	vadd.s32 v11, v9;
	v5 =	vcvt.f32.s32 v5;
	v8 =	vcvt.f32.s32 v8;
	v17 =	vld [tilespmem:s29+$0x2010]  }
0x16a: {  	v12 =	vadd.s32 v13, v12;
	v24 =	vmul.f32 $1.500000000e+01, v24;
	v11 =	vld [tilespmem:s29+$0x20];
	v25 =	vmul.f32 $1.500000000e+01, v25  }
0x16b: {  	v18 =	vadd.s32 v18, v23;
	v7 =	vcvt.f32.s32 v7;
	v13 =	vld [tilespmem:s29+$0x2020];
	v26 =	vmul.f32 $1.500000000e+01, v26  }
0x16c: {  	v14 =	vadd.s32 v14, v22;
	v24 =	vtrunc.f32 v24;
	v23 =	vld [tilespmem:s29+$0x30];
	v25 =	vtrunc.f32 v25  }
0x16d: {  	v20 =	vadd.s32 v21, v20;
	v24 =	vcvt.f32.s32 v24;
	v22 =	vld [tilespmem:s29+$0x2030];
	v25 =	vcvt.f32.s32 v25  }
0x16e: {  	v3 =	vadd.s32 v19, v3;
	v21 =	vmul.f32 $1.500000000e+01, v27;
	v26 =	vtrunc.f32 v26;
	v27 =	vld [tilespmem:s29+$0x40]  }
0x16f: {  	v26 =	vcvt.f32.s32 v26;
	v24 =	vshll.u32 v24, $0x8;
	v19 =	vld [tilespmem:s29+$0x2040];
	v25 =	vshll.u32 v25, $0x4  }
0x170: {  	v15 =	vmul.f32 $1.500000000e+01, v15;
	v17 =	vmul.f32 $1.500000000e+01, v17;
	v28 =	vld [tilespmem:s29+$0x50];
	v24 =	vadd.s32 v25, v24  }
0x171: {  	v11 =	vmul.f32 $1.500000000e+01, v11;
	v13 =	vmul.f32 $1.500000000e+01, v13;
	v25 =	vld [tilespmem:s29+$0x2050];
	v24 =	vadd.s32 v26, v24  }
0x172: {  	v23 =	vmul.f32 $1.500000000e+01, v23;
	v22 =	vmul.f32 $1.500000000e+01, v22;
	v26 =	vld [tilespmem:s29+$0x60];
	v24 =	vadd.s32 v1, v24  }
0x173: {  	v4 =	vadd.s32 v4, v6;
	v21 =	vtrunc.f32 v21;
	v27 =	vmul.f32 $1.500000000e+01, v27;
	v29 =	vld [tilespmem:s29+$0x2060]  }
0x174: {  	v9 =	vadd.s32 v10, v9;
	v15 =	vtrunc.f32 v15;
	v6 =	vld [tilespmem:s29+$0x0];
	v19 =	vmul.f32 $1.500000000e+01, v19  }
0x175: {  	v12 =	vadd.s32 v16, v12;
	v17 =	vtrunc.f32 v17;
	v10 =	vld [tilespmem:s29+$0x4000];
	v28 =	vmul.f32 $1.500000000e+01, v28  }
0x176: {  	v5 =	vadd.s32 v5, v18;
	v11 =	vtrunc.f32 v11;
	v16 =	vld [tilespmem:s29+$0x4010];
	v25 =	vmul.f32 $1.500000000e+01, v25  }
0x177: {  	v8 =	vadd.s32 v8, v14;
	v13 =	vtrunc.f32 v13;
	v18 =	vmul.f32 $1.500000000e+01, v26;
	[tilespmem:v24+s31+$0x0] =	vst.idx.add.f32.msk $0xffff, v2  }
0x178: {  	v7 =	vadd.s32 v7, v20;
	v23 =	vtrunc.f32 v23;
	v14 =	vld [tilespmem:s29+$0x4020];
	v24 =	vmul.f32 $1.500000000e+01, v29  }
0x179: {  	v3 =	vadd.s32 v1, v3;
	v22 =	vtrunc.f32 v22;
	v6 =	vmul.f32 $1.500000000e+01, v6;
	v20 =	vld [tilespmem:s29+$0x4030]  }
0x17a: {  	v4 =	vadd.s32 v1, v4;
	v27 =	vtrunc.f32 v27;
	v19 =	vtrunc.f32 v19;
	v26 =	vld [tilespmem:s29+$0x4040]  }
0x17b: {  	v9 =	vadd.s32 v1, v9;
	v28 =	vtrunc.f32 v28;
	v6 =	vtrunc.f32 v6;
	v29 =	vld [tilespmem:s29+$0x4050]  }
0x17c: {  	v12 =	vadd.s32 v1, v12;
	v25 =	vtrunc.f32 v25;
	v31 =	vtrunc.f32 v18;
	v30 =	vld [tilespmem:s29+$0x4060]  }
0x17d: {  	v32 =	vmul.f32 $1.500000000e+01, v10;
	v24 =	vtrunc.f32 v24;
	v10 =	vadd.s32 v1, v5  }
0x17e: {  	v16 =	vmul.f32 $1.500000000e+01, v16;
	v33 =	vmul.f32 $1.500000000e+01, v14;
	v14 =	vadd.s32 v1, v8;
	[tilespmem:v3+s31+$0x0] =	vst.idx.add.f32.msk $0xffff, v2  }
0x17f: {  	v18 =	vadd.s32 v1, v7;
	v34 =	vmul.f32 $1.500000000e+01, v20;
	v5 =	vmul.f32 $1.500000000e+01, v26;
	[tilespmem:v4+s31+$0x0] =	vst.idx.add.f32.msk $0xffff, v2  }
0x180: {  	v3 =	vcvt.f32.s32 v6;
	v8 =	vmul.f32 $1.500000000e+01, v29;
	[tilespmem:v9+s31+$0x0] =	vst.idx.add.f32.msk $0xffff, v2  }
0x181: {  	v4 =	vcvt.f32.s32 v21;
	v7 =	vmul.f32 $1.500000000e+01, v30;
	[tilespmem:v12+s31+$0x0] =	vst.idx.add.f32.msk $0xffff, v2  }
0x182: {  	v6 =	vcvt.f32.s32 v15;
	v3 =	vshll.u32 v3, $0x8;
	v9 =	vcvt.f32.s32 v17;
	[tilespmem:v10+s31+$0x0] =	vst.idx.add.f32.msk $0xffff, v2  }
0x183: {  	v11 =	vcvt.f32.s32 v11;
	v4 =	vshll.u32 v4, $0x4;
	v12 =	vcvt.f32.s32 v13;
	[tilespmem:v14+s31+$0x0] =	vst.idx.add.f32.msk $0xffff, v2  }
0x184: {  	v26 =	vcvt.f32.s32 v22;
	v6 =	vshll.u32 v6, $0x8;
	v13 =	vcvt.f32.s32 v23;
	[tilespmem:v18+s31+$0x0] =	vst.idx.add.f32.msk $0xffff, v2  }
.Ltmp4:
0x185: {  	v23 =	vcvt.f32.s32 v27;
	v10 =	vshll.u32 v9, $0x4;
	v18 =	vcvt.f32.s32 v19;
	(pc) =	sbr.rel @p0 .LBB2_10-.Ltmp4, $4  }
0x186: {  	v22 =	vcvt.f32.s32 v28;
	v9 =	vshll.u32 v11, $0x8;
	v14 =	vcvt.f32.s32 v25  }
0x187: {  	v20 =	vcvt.f32.s32 v31;
	v21 =	vcvt.f32.s32 v24;
	v11 =	vshll.u32 v12, $0x4  }
0x188: {  	v15 =	vtrunc.f32 v16;
	v12 =	vshll.u32 v13, $0x8;
	v19 =	vtrunc.f32 v32  }
0x189: {  	s29 =	sadd.s32 $0x80, s29;
	v16 =	vtrunc.f32 v33;
	v17 =	vtrunc.f32 v34;
	v13 =	vshll.u32 v26, $0x4  }
0x18a: {  	v5 =	vtrunc.f32 v5  }
0x18b: {  	v23 =	vshll.u32 v23, $0x8;
	v8 =	vtrunc.f32 v8;
	v18 =	vshll.u32 v18, $0x4  }
0x18c: {  	v22 =	vshll.u32 v22, $0x8;
	v7 =	vtrunc.f32 v7;
	v14 =	vshll.u32 v14, $0x4  }
0x18d: {  	v20 =	vshll.u32 v20, $0x8;
	v21 =	vshll.u32 v21, $0x4;
	v19 =	vcvt.f32.s32 v19  }
0x18e: {  	v3 =	vadd.s32 v4, v3;
	v4 =	vcvt.f32.s32 v15;
	v6 =	vadd.s32 v10, v6  }
0x18f: {  	v10 =	vcvt.f32.s32 v16;
	v15 =	vcvt.f32.s32 v17;
	v9 =	vadd.s32 v11, v9  }
0x190: {  	v11 =	vadd.s32 v13, v12;
	v5 =	vcvt.f32.s32 v5;
	v3 =	vadd.s32 v19, v3  }
0x191: {  	v8 =	vcvt.f32.s32 v8;
	v4 =	vadd.s32 v4, v6;
	v3 =	vadd.s32 v1, v3  }
0x192: {  	v7 =	vcvt.f32.s32 v7;
	v9 =	vadd.s32 v10, v9;
	v4 =	vadd.s32 v1, v4  }
0x193: {  	v6 =	vadd.s32 v18, v23;
	v10 =	vadd.s32 v15, v11;
	v9 =	vadd.s32 v1, v9  }
0x194: {  	v11 =	vadd.s32 v14, v22;
	v5 =	vadd.s32 v5, v6;
	v6 =	vadd.s32 v1, v10  }
0x195: {  	v10 =	vadd.s32 v21, v20;
	v8 =	vadd.s32 v8, v11;
	v5 =	vadd.s32 v1, v5  }
0x196: {  	v7 =	vadd.s32 v7, v10;
	[tilespmem:v3+s31+$0x0] =	vst.idx.add.f32.msk $0xffff, v2;
	v3 =	vadd.s32 v1, v8  }
0x197: {  	[tilespmem:v4+s31+$0x0] =	vst.idx.add.f32.msk $0xffff, v2;
	v4 =	vadd.s32 v1, v7  }
0x198: {  	[tilespmem:v9+s31+$0x0] =	vst.idx.add.f32.msk $0xffff, v2  }
0x199: {  	[tilespmem:v6+s31+$0x0] =	vst.idx.add.f32.msk $0xffff, v2  }
0x19a: {  	[tilespmem:v5+s31+$0x0] =	vst.idx.add.f32.msk $0xffff, v2  }
0x19b: {  	[tilespmem:v3+s31+$0x0] =	vst.idx.add.f32.msk $0xffff, v2  }
0x19c: {  	[tilespmem:v4+s31+$0x0] =	vst.idx.add.f32.msk $0xffff, v2  }
0x19d: {  	_ =	swait.ge [sflag:s0], $0x2000  }
0x19e: {  	[sflag:s0] =	ssyncset.done $0x0  }
0x19f: {  	[sflag:s0] =	ssyncadd.s32 $0xFFFFE000  }
0x1a0: {  	_ =	swait.ge [sflag:s0], $0x2000  }
0x1a1: {  	[sflag:s0] =	ssyncset.done $0x0  }
0x1a2: {  	[sflag:s0] =	ssyncadd.s32 $0xFFFFE000  }
0x1a3: {  	_ =	swait.ge [sflag:s0], $0x2000  }
0x1a4: {  	[sflag:s0] =	ssyncset.done $0x0  }
0x1a5: {  	s3 =	simm.s32 $0xA070;
	[sflag:s0] =	ssyncadd.s32 $0xFFFFE000  }
0x1a6: {  	v3 =	vld [tilespmem:s3+$0xFFFFC000]  }
0x1a7: {  	v4 =	vld [tilespmem:s3+$0xFFFFE000]  }
0x1a8: {  	v5 =	vld [tilespmem:s3+$0x0]  }
0x1a9: {  	v6 =	vld [tilespmem:s3+$0xFFFFDF90]  }
0x1aa: {  	v9 =	vld [tilespmem:s3+$0xFFFFBFB0]  }
0x1ab: {  	v10 =	vld [tilespmem:s3+$0xFFFFDFB0]  }
0x1ac: {  	v11 =	vld [tilespmem:s3+$0xFFFFBFC0]  }
0x1ad: {  	v12 =	vld [tilespmem:s3+$0xFFFFDFC0]  }
0x1ae: {  	v13 =	vld [tilespmem:s3+$0xFFFFBFD0]  }
0x1af: {  	v16 =	vld [tilespmem:s3+$0xFFFFDFE0]  }
0x1b0: {  	v17 =	vld [tilespmem:s3+$0xFFFFBFF0]  }
0x1b1: {  	v18 =	vld [tilespmem:s3+$0xFFFFDFF0]  }
0x1b2: {  	v19 =	vld [tilespmem:s3+$0xFFFFBF90]  }
0x1b3: {  	v21 =	vld [tilespmem:s3+$0xFFFFFFA0];
	v3 =	vmul.f32 $1.500000000e+01, v3;
	v4 =	vmul.f32 $1.500000000e+01, v4  }
0x1b4: {  	v22 =	vld [tilespmem:s3+$0xFFFFFFB0];
	v5 =	vmul.f32 $1.500000000e+01, v5;
	v6 =	vmul.f32 $1.500000000e+01, v6  }
0x1b5: {  	v23 =	vld [tilespmem:s3+$0xFFFFFFC0];
	v9 =	vmul.f32 $1.500000000e+01, v9;
	v10 =	vmul.f32 $1.500000000e+01, v10  }
0x1b6: {  	v11 =	vmul.f32 $1.500000000e+01, v11;
	v12 =	vmul.f32 $1.500000000e+01, v12  }
0x1b7: {  	v13 =	vmul.f32 $1.500000000e+01, v13;
	v16 =	vmul.f32 $1.500000000e+01, v16  }
0x1b8: {  	v17 =	vmul.f32 $1.500000000e+01, v17;
	v18 =	vmul.f32 $1.500000000e+01, v18  }
0x1b9: {  	v19 =	vmul.f32 $1.500000000e+01, v19;
	v30 =	vmul.f32 $1.500000000e+01, v21  }
0x1ba: {  	v31 =	vmul.f32 $1.500000000e+01, v22;
	v32 =	vmul.f32 $1.500000000e+01, v23  }
0x1bb: {  	v3 =	vtrunc.f32 v3;
	v4 =	vtrunc.f32 v4  }
0x1bc: {  	v5 =	vtrunc.f32 v5;
	v6 =	vtrunc.f32 v6  }
0x1bd: {  	v7 =	vld [tilespmem:s3+$0xFFFFBFA0];
	v9 =	vtrunc.f32 v9;
	v10 =	vtrunc.f32 v10  }
0x1be: {  	v8 =	vld [tilespmem:s3+$0xFFFFDFA0];
	v11 =	vtrunc.f32 v11;
	v12 =	vtrunc.f32 v12  }
0x1bf: {  	v13 =	vtrunc.f32 v13;
	v19 =	vtrunc.f32 v19  }
0x1c0: {  	v16 =	vtrunc.f32 v16;
	v17 =	vtrunc.f32 v17  }
0x1c1: {  	v29 =	vtrunc.f32 v18;
	v3 =	vcvt.f32.s32 v3  }
0x1c2: {  	v14 =	vld [tilespmem:s3+$0xFFFFDFD0];
	v4 =	vcvt.f32.s32 v4;
	v15 =	vcvt.f32.s32 v5  }
0x1c3: {  	v5 =	vmul.f32 $1.500000000e+01, v7;
	v7 =	vmul.f32 $1.500000000e+01, v8  }
0x1c4: {  	v6 =	vcvt.f32.s32 v6;
	v9 =	vcvt.f32.s32 v9  }
0x1c5: {  	v24 =	vld [tilespmem:s3+$0xFFFFFFD0];
	v63 =	vcvt.f32.s32 v11;
	v33 =	vcvt.f32.s32 v12  }
0x1c6: {  	v8 =	vld [tilespmem:s3+$0xFFFFBFE0];
	v23 =	vcvt.f32.s32 v13;
	v21 =	vcvt.f32.s32 v29  }
0x1c7: {  	v20 =	vtrunc.f32 v5;
	v5 =	vmul.f32 $1.500000000e+01, v14  }
0x1c8: {  	v14 =	vtrunc.f32 v7;
	v3 =	vshll.u32 v3, $0x8;
	v4 =	vshll.u32 v4, $0x4  }
0x1c9: {  	v3 =	vadd.s32 v4, v3;
	v4 =	vcvt.f32.s32 v19;
	v14 =	vcvt.f32.s32 v14  }
0x1ca: {  	v9 =	vshll.u32 v9, $0x8;
	v19 =	vcvt.f32.s32 v10;
	v25 =	vtrunc.f32 v5  }
0x1cb: {  	v12 =	vshll.u32 v63, $0x8;
	v5 =	vmul.f32 $1.500000000e+01, v24;
	v7 =	vmul.f32 $1.500000000e+01, v8;
	v8 =	vld [tilespmem:s3+$0xFFFFFF90]  }
0x1cc: {  	v26 =	vld [tilespmem:s3+$0xFFFFFFE0];
	v3 =	vadd.s32 v15, v3;
	v15 =	vcvt.f32.s32 v20;
	v20 =	vcvt.f32.s32 v17  }
0x1cd: {  	v17 =	vtrunc.f32 v32;
	v62 =	vadd.s32 v1, v3;
	v27 =	vtrunc.f32 v7;
	v7 =	vld [tilespmem:s3+$0xFFFFFFF0]  }
0x1ce: {  	v3 =	vshll.u32 v4, $0x8;
	v4 =	vshll.u32 v6, $0x4;
	v18 =	vcvt.f32.s32 v25  }
0x1cf: {  	v10 =	vshll.u32 v14, $0x4;
	v14 =	vcvt.f32.s32 v16;
	v16 =	vtrunc.f32 v31  }
0x1d0: {  	v6 =	vshll.u32 v15, $0x8;
	v15 =	vtrunc.f32 v30;
	v28 =	vmul.f32 $1.500000000e+01, v8  }
0x1d1: {  	v13 =	vshll.u32 v33, $0x4;
	v22 =	vcvt.f32.s32 v27;
	v8 =	vmul.f32 $1.500000000e+01, v26  }
0x1d2: {  	s28 =	simm.s32 $0x0;
	s29 =	simm.s32 $0xA0F0;
	v11 =	vshll.u32 v19, $0x4;
	[tilespmem:v62+s31+$0x0] =	vst.idx.add.f32.msk $0xffff, v2;
	v7 =	vmul.f32 $1.500000000e+01, v7;
	v19 =	vtrunc.f32 v28  }
.LBB2_12:
0x1d3: {  	v24 =	vld [tilespmem:s29+$0xFFFFC000];
	v5 =	vtrunc.f32 v5;
	v23 =	vshll.u32 v23, $0x8;
	v8 =	vtrunc.f32 v8  }
0x1d4: {  	s28 =	sadd.s32 $0x8, s28;
	v18 =	vshll.u32 v18, $0x4;
	v22 =	vshll.u32 v22, $0x8;
	v7 =	vtrunc.f32 v7;
	v25 =	vld [tilespmem:s29+$0xFFFFE000]  }
0x1d5: {  	v14 =	vshll.u32 v14, $0x4;
	v20 =	vshll.u32 v20, $0x8;
	v21 =	vshll.u32 v21, $0x4;
	p0 =	slt.u32 s28, $0x1F8;
	v26 =	vld [tilespmem:s29+$0x0]  }
0x1d6: {  	v19 =	vcvt.f32.s32 v19;
	v3 =	vadd.s32 v4, v3;
	v4 =	vcvt.f32.s32 v15;
	v27 =	vld [tilespmem:s29+$0xFFFFDF90]  }
0x1d7: {  	v6 =	vadd.s32 v10, v6;
	v10 =	vcvt.f32.s32 v16;
	v16 =	vcvt.f32.s32 v17;
	v15 =	vld [tilespmem:s29+$0xFFFFBFA0]  }
0x1d8: {  	v9 =	vadd.s32 v11, v9;
	v5 =	vcvt.f32.s32 v5;
	v8 =	vcvt.f32.s32 v8;
	v17 =	vld [tilespmem:s29+$0xFFFFDFA0]  }
0x1d9: {  	v12 =	vadd.s32 v13, v12;
	v24 =	vmul.f32 $1.500000000e+01, v24;
	v11 =	vld [tilespmem:s29+$0xFFFFBFB0];
	v25 =	vmul.f32 $1.500000000e+01, v25  }
0x1da: {  	v18 =	vadd.s32 v18, v23;
	v7 =	vcvt.f32.s32 v7;
	v13 =	vld [tilespmem:s29+$0xFFFFDFB0];
	v26 =	vmul.f32 $1.500000000e+01, v26  }
0x1db: {  	v14 =	vadd.s32 v14, v22;
	v24 =	vtrunc.f32 v24;
	v23 =	vld [tilespmem:s29+$0xFFFFBFC0];
	v25 =	vtrunc.f32 v25  }
0x1dc: {  	v20 =	vadd.s32 v21, v20;
	v24 =	vcvt.f32.s32 v24;
	v22 =	vld [tilespmem:s29+$0xFFFFDFC0];
	v25 =	vcvt.f32.s32 v25  }
0x1dd: {  	v3 =	vadd.s32 v19, v3;
	v21 =	vmul.f32 $1.500000000e+01, v27;
	v26 =	vtrunc.f32 v26;
	v27 =	vld [tilespmem:s29+$0xFFFFBFD0]  }
0x1de: {  	v26 =	vcvt.f32.s32 v26;
	v24 =	vshll.u32 v24, $0x8;
	v19 =	vld [tilespmem:s29+$0xFFFFDFD0];
	v25 =	vshll.u32 v25, $0x4  }
0x1df: {  	v15 =	vmul.f32 $1.500000000e+01, v15;
	v17 =	vmul.f32 $1.500000000e+01, v17;
	v28 =	vld [tilespmem:s29+$0xFFFFBFE0];
	v24 =	vadd.s32 v25, v24  }
0x1e0: {  	v11 =	vmul.f32 $1.500000000e+01, v11;
	v13 =	vmul.f32 $1.500000000e+01, v13;
	v25 =	vld [tilespmem:s29+$0xFFFFDFE0];
	v24 =	vadd.s32 v26, v24  }
0x1e1: {  	v23 =	vmul.f32 $1.500000000e+01, v23;
	v22 =	vmul.f32 $1.500000000e+01, v22;
	v26 =	vld [tilespmem:s29+$0xFFFFBFF0];
	v24 =	vadd.s32 v1, v24  }
0x1e2: {  	v4 =	vadd.s32 v4, v6;
	v21 =	vtrunc.f32 v21;
	v27 =	vmul.f32 $1.500000000e+01, v27;
	v29 =	vld [tilespmem:s29+$0xFFFFDFF0]  }
0x1e3: {  	v9 =	vadd.s32 v10, v9;
	v15 =	vtrunc.f32 v15;
	v6 =	vld [tilespmem:s29+$0xFFFFBF90];
	v19 =	vmul.f32 $1.500000000e+01, v19  }
0x1e4: {  	v12 =	vadd.s32 v16, v12;
	v17 =	vtrunc.f32 v17;
	v10 =	vld [tilespmem:s29+$0xFFFFFF90];
	v28 =	vmul.f32 $1.500000000e+01, v28  }
0x1e5: {  	v5 =	vadd.s32 v5, v18;
	v11 =	vtrunc.f32 v11;
	v16 =	vld [tilespmem:s29+$0xFFFFFFA0];
	v25 =	vmul.f32 $1.500000000e+01, v25  }
0x1e6: {  	v8 =	vadd.s32 v8, v14;
	v13 =	vtrunc.f32 v13;
	v18 =	vmul.f32 $1.500000000e+01, v26;
	[tilespmem:v24+s31+$0x0] =	vst.idx.add.f32.msk $0xffff, v2  }
0x1e7: {  	v7 =	vadd.s32 v7, v20;
	v23 =	vtrunc.f32 v23;
	v14 =	vld [tilespmem:s29+$0xFFFFFFB0];
	v24 =	vmul.f32 $1.500000000e+01, v29  }
0x1e8: {  	v3 =	vadd.s32 v1, v3;
	v22 =	vtrunc.f32 v22;
	v6 =	vmul.f32 $1.500000000e+01, v6;
	v20 =	vld [tilespmem:s29+$0xFFFFFFC0]  }
0x1e9: {  	v4 =	vadd.s32 v1, v4;
	v27 =	vtrunc.f32 v27;
	v19 =	vtrunc.f32 v19;
	v26 =	vld [tilespmem:s29+$0xFFFFFFD0]  }
0x1ea: {  	v9 =	vadd.s32 v1, v9;
	v28 =	vtrunc.f32 v28;
	v6 =	vtrunc.f32 v6;
	v29 =	vld [tilespmem:s29+$0xFFFFFFE0]  }
0x1eb: {  	v12 =	vadd.s32 v1, v12;
	v25 =	vtrunc.f32 v25;
	v31 =	vtrunc.f32 v18;
	v30 =	vld [tilespmem:s29+$0xFFFFFFF0]  }
0x1ec: {  	v32 =	vmul.f32 $1.500000000e+01, v10;
	v24 =	vtrunc.f32 v24;
	v10 =	vadd.s32 v1, v5  }
0x1ed: {  	v16 =	vmul.f32 $1.500000000e+01, v16;
	v33 =	vmul.f32 $1.500000000e+01, v14;
	v14 =	vadd.s32 v1, v8;
	[tilespmem:v3+s31+$0x0] =	vst.idx.add.f32.msk $0xffff, v2  }
0x1ee: {  	v18 =	vadd.s32 v1, v7;
	v34 =	vmul.f32 $1.500000000e+01, v20;
	v5 =	vmul.f32 $1.500000000e+01, v26;
	[tilespmem:v4+s31+$0x0] =	vst.idx.add.f32.msk $0xffff, v2  }
0x1ef: {  	v3 =	vcvt.f32.s32 v6;
	v8 =	vmul.f32 $1.500000000e+01, v29;
	[tilespmem:v9+s31+$0x0] =	vst.idx.add.f32.msk $0xffff, v2  }
0x1f0: {  	v4 =	vcvt.f32.s32 v21;
	v7 =	vmul.f32 $1.500000000e+01, v30;
	[tilespmem:v12+s31+$0x0] =	vst.idx.add.f32.msk $0xffff, v2  }
0x1f1: {  	v6 =	vcvt.f32.s32 v15;
	v3 =	vshll.u32 v3, $0x8;
	v9 =	vcvt.f32.s32 v17;
	[tilespmem:v10+s31+$0x0] =	vst.idx.add.f32.msk $0xffff, v2  }
0x1f2: {  	v11 =	vcvt.f32.s32 v11;
	v4 =	vshll.u32 v4, $0x4;
	v12 =	vcvt.f32.s32 v13;
	[tilespmem:v14+s31+$0x0] =	vst.idx.add.f32.msk $0xffff, v2  }
0x1f3: {  	v26 =	vcvt.f32.s32 v22;
	v6 =	vshll.u32 v6, $0x8;
	v13 =	vcvt.f32.s32 v23;
	[tilespmem:v18+s31+$0x0] =	vst.idx.add.f32.msk $0xffff, v2  }
.Ltmp5:
0x1f4: {  	v23 =	vcvt.f32.s32 v27;
	v10 =	vshll.u32 v9, $0x4;
	v18 =	vcvt.f32.s32 v19;
	(pc) =	sbr.rel @p0 .LBB2_12-.Ltmp5, $4  }
0x1f5: {  	v22 =	vcvt.f32.s32 v28;
	v9 =	vshll.u32 v11, $0x8;
	v14 =	vcvt.f32.s32 v25  }
0x1f6: {  	v20 =	vcvt.f32.s32 v31;
	v21 =	vcvt.f32.s32 v24;
	v11 =	vshll.u32 v12, $0x4  }
0x1f7: {  	v15 =	vtrunc.f32 v16;
	v12 =	vshll.u32 v13, $0x8;
	v19 =	vtrunc.f32 v32  }
0x1f8: {  	s29 =	sadd.s32 $0x80, s29;
	v16 =	vtrunc.f32 v33;
	v17 =	vtrunc.f32 v34;
	v13 =	vshll.u32 v26, $0x4  }
0x1f9: {  	v5 =	vtrunc.f32 v5  }
0x1fa: {  	v23 =	vshll.u32 v23, $0x8;
	v8 =	vtrunc.f32 v8;
	v18 =	vshll.u32 v18, $0x4  }
0x1fb: {  	v22 =	vshll.u32 v22, $0x8;
	v7 =	vtrunc.f32 v7;
	v14 =	vshll.u32 v14, $0x4  }
0x1fc: {  	v20 =	vshll.u32 v20, $0x8;
	v21 =	vshll.u32 v21, $0x4;
	v19 =	vcvt.f32.s32 v19  }
0x1fd: {  	v3 =	vadd.s32 v4, v3;
	v4 =	vcvt.f32.s32 v15;
	v6 =	vadd.s32 v10, v6  }
0x1fe: {  	v10 =	vcvt.f32.s32 v16;
	v62 =	vcvt.f32.s32 v17;
	v9 =	vadd.s32 v11, v9  }
0x1ff: {  	v11 =	vadd.s32 v13, v12;
	v5 =	vcvt.f32.s32 v5;
	v3 =	vadd.s32 v19, v3  }
0x200: {  	v8 =	vcvt.f32.s32 v8;
	v4 =	vadd.s32 v4, v6;
	v3 =	vadd.s32 v1, v3  }
0x201: {  	v7 =	vcvt.f32.s32 v7;
	v9 =	vadd.s32 v10, v9;
	v4 =	vadd.s32 v1, v4  }
0x202: {  	v6 =	vadd.s32 v18, v23;
	v10 =	vadd.s32 v62, v11;
	v9 =	vadd.s32 v1, v9  }
0x203: {  	v11 =	vadd.s32 v14, v22;
	v5 =	vadd.s32 v5, v6;
	v6 =	vadd.s32 v1, v10  }
0x204: {  	v10 =	vadd.s32 v21, v20;
	v8 =	vadd.s32 v8, v11;
	v5 =	vadd.s32 v1, v5  }
0x205: {  	v7 =	vadd.s32 v7, v10;
	[tilespmem:v3+s31+$0x0] =	vst.idx.add.f32.msk $0xffff, v2;
	v3 =	vadd.s32 v1, v8  }
0x206: {  	[tilespmem:v4+s31+$0x0] =	vst.idx.add.f32.msk $0xffff, v2;
	v4 =	vadd.s32 v1, v7  }
0x207: {  	[tilespmem:v9+s31+$0x0] =	vst.idx.add.f32.msk $0xffff, v2  }
0x208: {  	[tilespmem:v6+s31+$0x0] =	vst.idx.add.f32.msk $0xffff, v2  }
0x209: {  	[tilespmem:v5+s31+$0x0] =	vst.idx.add.f32.msk $0xffff, v2  }
0x20a: {  	[tilespmem:v3+s31+$0x0] =	vst.idx.add.f32.msk $0xffff, v2  }
0x20b: {  	s28 =	simm.s32 $0x0;
	[tilespmem:v4+s31+$0x0] =	vst.idx.add.f32.msk $0xffff, v2  }
0x20c: {  	v3 =	vld [tilespmem:s28+$0xC210]  }
0x20d: {  	v4 =	vld [tilespmem:s28+$0xD211]  }
0x20e: {  	v5 =	vld [tilespmem:s28+$0xC200]  }
0x20f: {  	v6 =	vld [tilespmem:s28+$0xE212]  }
0x210: {  	v7 =	vld [tilespmem:s28+$0xD201]  }
0x211: {  	v8 =	vld [tilespmem:s28+$0xF213]  }
0x212: {  	v9 =	vld [tilespmem:s28+$0xE202];
	v3 =	vadd.f32 v4, v3  }
0x213: {  	v4 =	vld [tilespmem:s28+$0x10214]  }
0x214: {  	v10 =	vld [tilespmem:s28+$0xF203];
	v3 =	vadd.f32 v6, v3  }
0x215: {  	v5 =	vadd.f32 v7, v5;
	v6 =	vld [tilespmem:s28+$0x11215]  }
0x216: {  	v7 =	vld [tilespmem:s28+$0x10204];
	v3 =	vadd.f32 v8, v3  }
0x217: {  	v5 =	vadd.f32 v9, v5;
	v8 =	vld [tilespmem:s28+$0x12216]  }
0x218: {  	v9 =	vld [tilespmem:s28+$0x11205];
	v3 =	vadd.f32 v4, v3  }
0x219: {  	v5 =	vadd.f32 v10, v5;
	v4 =	vld [tilespmem:s28+$0x13217]  }
0x21a: {  	v10 =	vld [tilespmem:s28+$0x12206];
	v3 =	vadd.f32 v6, v3  }
0x21b: {  	v5 =	vadd.f32 v7, v5;
	v6 =	vld [tilespmem:s28+$0x14218]  }
0x21c: {  	v7 =	vld [tilespmem:s28+$0x13207];
	v3 =	vadd.f32 v8, v3  }
0x21d: {  	v5 =	vadd.f32 v9, v5;
	v8 =	vld [tilespmem:s28+$0x15219]  }
0x21e: {  	v9 =	vld [tilespmem:s28+$0x14208];
	v3 =	vadd.f32 v4, v3  }
0x21f: {  	v5 =	vadd.f32 v10, v5;
	v4 =	vld [tilespmem:s28+$0x1621A]  }
0x220: {  	v10 =	vld [tilespmem:s28+$0x15209];
	v3 =	vadd.f32 v6, v3  }
0x221: {  	v11 =	vld [tilespmem:s28+$0x1721B];
	v5 =	vadd.f32 v7, v5  }
0x222: {  	v7 =	vld [tilespmem:s28+$0x1620A];
	v3 =	vadd.f32 v8, v3  }
0x223: {  	v5 =	vadd.f32 v9, v5;
	v8 =	vld [tilespmem:s28+$0x1821C]  }
0x224: {  	v9 =	vld [tilespmem:s28+$0x1720B];
	v3 =	vadd.f32 v4, v3  }
0x225: {  	v63 =	vld [tilespmem:s28+$0x1921D];
	v4 =	vadd.f32 v10, v5  }
0x226: {  	v6 =	vld [tilespmem:s28+$0x1820C];
	v5 =	vadd.f32 v11, v3  }
0x227: {  	v3 =	vld [tilespmem:s28+$0x1A21E];
	v7 =	vadd.f32 v7, v4  }
0x228: {  	v4 =	vld [tilespmem:s28+$0x1920D];
	v8 =	vadd.f32 v8, v5  }
0x229: {  	v5 =	vld [tilespmem:s28+$0x1B21F];
	v9 =	vadd.f32 v9, v7  }
0x22a: {  	s29 =	simm.s32 $0x0;
	s3 =	simm.s32 $0x80;
	v7 =	vld [tilespmem:s28+$0x1A20E];
	v8 =	vadd.f32 v63, v8  }
.LBB2_14:
0x22b: {  	s30 =	sshra.s32 s3, $0x2;
	v6 =	vadd.f32 v6, v9;
	v9 =	vld [tilespmem:s28+$0x1B20F]  }
0x22c: {  	s29 =	sadd.s32 $0x2, s29;
	v10 =	vld [tilespmem:s30+$0xC210];
	v3 =	vadd.f32 v3, v8  }
0x22d: {  	p0 =	slt.u32 s29, $0xFE;
	v8 =	vld [tilespmem:s30+$0xD211];
	v4 =	vadd.f32 v4, v6  }
0x22e: {  	v6 =	vld [tilespmem:s30+$0xC200];
	v3 =	vadd.f32 v5, v3  }
0x22f: {  	v5 =	vld [tilespmem:s30+$0xE212];
	v4 =	vadd.f32 v7, v4  }
0x230: {  	v7 =	vld [tilespmem:s30+$0xD201];
	[tilespmem:s28+$0x1C290] =	vst v3  }
0x231: {  	v3 =	vld [tilespmem:s30+$0xF213];
	v4 =	vadd.f32 v9, v4  }
0x232: {  	v9 =	vld [tilespmem:s30+$0xE202];
	v8 =	vadd.f32 v8, v10  }
0x233: {  	v10 =	vld [tilespmem:s30+$0x10214];
	[tilespmem:s28+$0x1C280] =	vst v4;
	s28 =	smov.u32 s30  }
0x234: {  	v4 =	vld [tilespmem:s28+$0xF203];
	v5 =	vadd.f32 v5, v8  }
0x235: {  	v6 =	vadd.f32 v7, v6;
	v7 =	vld [tilespmem:s28+$0x11215]  }
0x236: {  	v8 =	vld [tilespmem:s28+$0x10204];
	v3 =	vadd.f32 v3, v5  }
0x237: {  	v5 =	vadd.f32 v9, v6;
	v6 =	vld [tilespmem:s28+$0x12216]  }
0x238: {  	v9 =	vld [tilespmem:s28+$0x11205];
	v3 =	vadd.f32 v10, v3  }
0x239: {  	v4 =	vadd.f32 v4, v5;
	v5 =	vld [tilespmem:s28+$0x13217]  }
0x23a: {  	v10 =	vld [tilespmem:s28+$0x12206];
	v3 =	vadd.f32 v7, v3  }
0x23b: {  	v4 =	vadd.f32 v8, v4;
	v7 =	vld [tilespmem:s28+$0x14218]  }
0x23c: {  	v8 =	vld [tilespmem:s28+$0x13207];
	v3 =	vadd.f32 v6, v3  }
0x23d: {  	v4 =	vadd.f32 v9, v4;
	v6 =	vld [tilespmem:s28+$0x15219]  }
0x23e: {  	v9 =	vld [tilespmem:s28+$0x14208];
	v3 =	vadd.f32 v5, v3  }
0x23f: {  	v4 =	vadd.f32 v10, v4;
	v5 =	vld [tilespmem:s28+$0x1621A]  }
0x240: {  	v10 =	vld [tilespmem:s28+$0x15209];
	v3 =	vadd.f32 v7, v3  }
0x241: {  	v4 =	vadd.f32 v8, v4;
	v7 =	vld [tilespmem:s28+$0x1721B]  }
0x242: {  	v8 =	vld [tilespmem:s28+$0x1620A];
	v3 =	vadd.f32 v6, v3  }
0x243: {  	v4 =	vadd.f32 v9, v4;
	v9 =	vld [tilespmem:s28+$0x1821C]  }
0x244: {  	v11 =	vld [tilespmem:s28+$0x1720B];
	v3 =	vadd.f32 v5, v3  }
0x245: {  	v4 =	vadd.f32 v10, v4;
	v10 =	vld [tilespmem:s28+$0x1921D]  }
.Ltmp6:
0x246: {  	v6 =	vld [tilespmem:s28+$0x1820C];
	v5 =	vadd.f32 v7, v3;
	(pc) =	sbr.rel @p0 .LBB2_14-.Ltmp6, $4  }
0x247: {  	v7 =	vadd.f32 v8, v4;
	v3 =	vld [tilespmem:s28+$0x1A21E]  }
0x248: {  	v4 =	vld [tilespmem:s28+$0x1920D];
	v8 =	vadd.f32 v9, v5  }
0x249: {  	v9 =	vadd.f32 v11, v7;
	v5 =	vld [tilespmem:s28+$0x1B21F]  }
0x24a: {  	s3 =	sadd.s32 $0x80, s3;
	v7 =	vld [tilespmem:s28+$0x1A20E];
	v8 =	vadd.f32 v10, v8  }
0x24b: {  	v6 =	vadd.f32 v6, v9  }
0x24c: {  	v9 =	vld [tilespmem:s28+$0x1B20F]  }
0x24d: {  	v4 =	vadd.f32 v4, v6  }
0x24e: {  	v3 =	vadd.f32 v3, v8  }
0x24f: {  	v4 =	vadd.f32 v7, v4  }
0x250: {  	v3 =	vadd.f32 v5, v3  }
0x251: {  	v4 =	vadd.f32 v9, v4  }
0x252: {  	[tilespmem:s28+$0x1C290] =	vst v3  }
0x253: {  	[tilespmem:s28+$0x1C280] =	vst v4  }
0x254: {  	_ =	swait.ge [sflag:s1], $0x80  }
0x255: {  	[sflag:s1] =	ssyncset.done $0x0  }
0x256: {  	[sflag:s1] =	ssyncadd.s32 $0xFFFFFF80  }
0x257: {  	_ =	swait.ge [sflag:s1], $0x80  }
0x258: {  	[sflag:s1] =	ssyncset.done $0x0  }
0x259: {  	[sflag:s1] =	ssyncadd.s32 $0xFFFFFF80  }
0x25a: {  	_ =	swait.ge [sflag:s1], $0x80  }
0x25b: {  	[sflag:s1] =	ssyncset.done $0x0  }
0x25c: {  	s3 =	simm.s32 $0xC090;
	[sflag:s1] =	ssyncadd.s32 $0xFFFFFF80  }
0x25d: {  	v3 =	vld [tilespmem:s3+$0xFFFFFF80]  }
0x25e: {  	v4 =	vld [tilespmem:s3+$0x0]  }
0x25f: {  	v5 =	vld [tilespmem:s3+$0x80];
	_ =	sdelay $0x2  }
0x260: {  	v6 =	vld [tilespmem:s3+$0xFFFFFF70]  }
0x261: {  	v7 =	vld [tilespmem:s3+$0xFFFFFFF0];
	v3 =	vmul.f32 $1.500000000e+01, v3;
	v4 =	vmul.f32 $1.500000000e+01, v4  }
0x262: {  	s30 =	simm.s32 $0xC0B0;
	v8 =	vld [tilespmem:s3+$0x70];
	v5 =	vmul.f32 $1.500000000e+01, v5  }
0x263: {  	v9 =	vld [tilespmem:s30+$0xFFFFFF80];
	v3 =	vtrunc.f32 v3;
	v4 =	vtrunc.f32 v4  }
0x264: {  	v10 =	vld [tilespmem:s30+$0x0];
	v3 =	vcvt.f32.s32 v3;
	v4 =	vcvt.f32.s32 v4  }
0x265: {  	v5 =	vtrunc.f32 v5  }
0x266: {  	v5 =	vcvt.f32.s32 v5;
	v3 =	vshll.u32 v3, $0x8;
	v4 =	vshll.u32 v4, $0x4  }
0x267: {  	v6 =	vmul.f32 $1.500000000e+01, v6;
	v7 =	vmul.f32 $1.500000000e+01, v7;
	v3 =	vadd.s32 v3, v4;
	v4 =	vld [tilespmem:s30+$0x80]  }
0x268: {  	v8 =	vmul.f32 $1.500000000e+01, v8;
	v9 =	vmul.f32 $1.500000000e+01, v9;
	v3 =	vadd.s32 v5, v3  }
0x269: {  	v10 =	vmul.f32 $1.500000000e+01, v10;
	v5 =	vtrunc.f32 v6;
	(xrf1) =	vunique.msk.u32 $0xffff, v3  }
0x26a: {  	v6 =	vtrunc.f32 v7;
	v5 =	vcvt.f32.s32 v5  }
0x26b: {  	v8 =	vtrunc.f32 v8;
	v6 =	vcvt.f32.s32 v6  }
0x26c: {  	s28 =	simm.s32 $0xC0D0;
	v7 =	vld [tilespmem:s30+$0xFFFFFF70];
	v5 =	vshll.u32 v5, $0x8;
	v13 =	vmul.f32 $1.500000000e+01, v4;
	v4 =	vcvt.f32.s32 v8  }
0x26d: {  	v6 =	vshll.u32 v6, $0x4;
	v8 =	vtrunc.f32 v9;
	v9 =	vtrunc.f32 v10;
	v10 =	vld [tilespmem:s28+$0x0]  }
0x26e: {  	v11 =	vld [tilespmem:s30+$0xFFFFFFF0];
	v5 =	vadd.s32 v5, v6  }
0x26f: {  	v12 =	vld [tilespmem:s30+$0x70];
	v6 =	vcvt.f32.s32 v8;
	v8 =	vcvt.f32.s32 v9;
	v4 =	vadd.s32 v4, v5  }
0x270: {  	v5 =	vtrunc.f32 v13;
	(xrf1) =	vunique.msk.u32 $0xffff, v4  }
0x271: {  	v5 =	vcvt.f32.s32 v5;
	v6 =	vshll.u32 v6, $0x8;
	v8 =	vshll.u32 v8, $0x4  }
0x272: {  	v9 =	vld [tilespmem:s28+$0xFFFFFF80];
	v7 =	vmul.f32 $1.500000000e+01, v7;
	v6 =	vadd.s32 v6, v8;
	v10 =	vmul.f32 $1.500000000e+01, v10  }
0x273: {  	v11 =	vmul.f32 $1.500000000e+01, v11;
	v5 =	vadd.s32 v5, v6  }
0x274: {  	v12 =	vmul.f32 $1.500000000e+01, v12;
	v13 =	vld [tilespmem:s28+$0x80];
	v7 =	vtrunc.f32 v7;
	(xrf1) =	vunique.msk.u32 $0xffff, v5  }
0x275: {  	v8 =	vtrunc.f32 v11;
	v7 =	vcvt.f32.s32 v7  }
0x276: {  	v6 =	vcvt.f32.s32 v8;
	v8 =	vtrunc.f32 v12  }
0x277: {  	v12 =	vmul.f32 $1.500000000e+01, v9;
	v14 =	vshll.u32 v7, $0x8;
	v7 =	vld [tilespmem:s28+$0xFFFFFFF0];
	v16 =	vtrunc.f32 v10;
	_, v10, vm0 =	vpop (xrf1)  }
0x278: {  	v15 =	vcvt.f32.s32 v8;
	v9 =	vld [tilespmem:s28+$0xFFFFFF70];
	v6 =	vshll.u32 v6, $0x4  }
0x279: {  	v8 =	vld [tilespmem:s28+$0x70];
	v11 =	vmul.f32 $1.500000000e+01, v13;
	v12 =	vtrunc.f32 v12;
	v6 =	vadd.s32 v14, v6  }
0x27a: {  	s3 =	simm.s32 $0x4;
	s28 =	simm.s32 $0xC0F0;
	v13 =	vcvt.f32.s32 v12;
	v12 =	vcvt.f32.s32 v16;
	v6 =	vadd.s32 v15, v6  }
.LBB2_16:
0x27b: {  	v14 =	vld [tilespmem:s28+$0xFFFFFF80];
	v18 =	vtrunc.f32 v11;
	(xrf1) =	vunique.msk.u32 $0xffff, v6;
	v10 =	vcvt.s32.f32 v10  }
0x27c: {  	v15 =	vld [tilespmem:s28+$0x0];
	v17 =	vcvt.f32.s32 v18;
	v13 =	vshll.u32 v13, $0x8;
	v12 =	vshll.u32 v12, $0x4  }
0x27d: {  	s3 =	sadd.s32 $0x2, s3;
	v9 =	vmul.f32 $1.500000000e+01, v9;
	v16 =	vmul.f32 $1.500000000e+01, v7;
	v7 =	vadd.s32 v13, v12;
	[tilespmem:v3+s23+$0x0] =	vst.idx.add.f32.msk vm0, v10;
	v3 =	vmovc v5  }
0x27e: {  	v19 =	vmul.f32 $1.500000000e+01, v8;
	p0 =	slt.u32 s3, $0x6;
	v12 =	vld [tilespmem:s28+$0x80];
	v5 =	vadd.s32 v17, v7;
	_, v11, vm1 =	vpop (xrf1)  }
0x27f: {  	v8 =	vtrunc.f32 v9;
	v13 =	vtrunc.f32 v16;
	v7 =	vld [tilespmem:s28+$0xFFFFFFF0];
	(xrf1) =	vunique.msk.u32 $0xffff, v5  }
0x280: {  	v16 =	vcvt.f32.s32 v8;
	v13 =	vcvt.f32.s32 v13;
	v9 =	vld [tilespmem:s28+$0xFFFFFF70]  }
.Ltmp7:
0x281: {  	v17 =	vtrunc.f32 v19;
	v18 =	vcvt.s32.f32 v11;
	v8 =	vld [tilespmem:s28+$0x70];
	(pc) =	sbr.rel @p0 .LBB2_16-.Ltmp7, $4  }
0x282: {  	v14 =	vmul.f32 $1.500000000e+01, v14;
	v16 =	vshll.u32 v16, $0x8;
	v15 =	vmul.f32 $1.500000000e+01, v15;
	_, v10, vm0 =	vpop (xrf1)  }
0x283: {  	v17 =	vcvt.f32.s32 v17;
	v11 =	vmul.f32 $1.500000000e+01, v12;
	v12 =	vshll.u32 v13, $0x4  }
0x284: {  	v13 =	vtrunc.f32 v14;
	v14 =	vtrunc.f32 v15;
	v15 =	vadd.s32 v16, v12;
	[tilespmem:v4+s23+$0x0] =	vst.idx.add.f32.msk vm1, v18;
	v4 =	vmovc v6  }
0x285: {  	s28 =	sadd.s32 $0x20, s28;
	v13 =	vcvt.f32.s32 v13;
	v12 =	vcvt.f32.s32 v14;
	v6 =	vadd.s32 v17, v15  }
0x286: {  	v9 =	vmul.f32 $1.500000000e+01, v9;
	v7 =	vmul.f32 $1.500000000e+01, v7  }
0x287: {  	v11 =	vtrunc.f32 v11;
	v8 =	vmul.f32 $1.500000000e+01, v8  }
0x288: {  	v13 =	vshll.u32 v13, $0x8;
	v9 =	vtrunc.f32 v9;
	v7 =	vtrunc.f32 v7  }
0x289: {  	v12 =	vshll.u32 v12, $0x4;
	v9 =	vcvt.f32.s32 v9;
	v7 =	vcvt.f32.s32 v7  }
0x28a: {  	v11 =	vcvt.f32.s32 v11;
	v12 =	vadd.s32 v13, v12;
	v8 =	vtrunc.f32 v8  }
0x28b: {  	v8 =	vcvt.f32.s32 v8;
	v9 =	vshll.u32 v9, $0x8;
	v7 =	vshll.u32 v7, $0x4  }
0x28c: {  	(xrf1) =	vunique.msk.u32 $0xffff, v6;
	v11 =	vadd.s32 v11, v12;
	v7 =	vadd.s32 v9, v7  }
0x28d: {  	(xrf1) =	vunique.msk.u32 $0xffff, v11;
	v7 =	vadd.s32 v8, v7  }
0x28e: {  	(xrf1) =	vunique.msk.u32 $0xffff, v7;
	_ =	sdelay $0x9  }
0x28f: {  	_, v58, vm1 =	vpop (xrf1)  }
0x290: {  	_, v59, vm2 =	vpop (xrf1)  }
0x291: {  	_, v60, vm3 =	vpop (xrf1)  }
0x292: {  	v10 =	vcvt.s32.f32 v10;
	_, v61, vm4 =	vpop (xrf1)  }
0x293: {  	v8 =	vcvt.s32.f32 v58;
	_, v14, vm5 =	vpop (xrf1)  }
0x294: {  	[tilespmem:v3+s23+$0x0] =	vst.idx.add.f32.msk vm0, v10;
	v3 =	vcvt.s32.f32 v59  }
0x295: {  	[tilespmem:v4+s23+$0x0] =	vst.idx.add.f32.msk vm1, v8;
	v62 =	vcvt.s32.f32 v60  }
0x296: {  	[tilespmem:v5+s23+$0x0] =	vst.idx.add.f32.msk vm2, v3;
	v3 =	vcvt.s32.f32 v61  }
0x297: {  	[tilespmem:v6+s23+$0x0] =	vst.idx.add.f32.msk vm3, v62;
	v63 =	vcvt.s32.f32 v14  }
0x298: {  	[tilespmem:v11+s23+$0x0] =	vst.idx.add.f32.msk vm4, v3  }
0x299: {  	s3 =	simm.s32 $0x1C280;
	[tilespmem:v7+s23+$0x0] =	vst.idx.add.f32.msk vm5, v63  }
0x29a: {  	[hbm4b:s18+s24] =	stream.strided.scatter [tilespmem:s3], [sflag:$0x4], $0x1000, s25, s24, $0x38;
	[tilespmem:$0x1E280] =	vst v63  }
0x29b: {  	s22 =	sadd.s32 $0x1, s22;
	_ =	swait.ge [sflag:s21], $0x1000  }
0x29c: {  	p0 =	sne.s32 s22, s20;
	[sflag:s21] =	ssyncset.done $0x0  }
.Ltmp8:
0x29d: {  	[sflag:s21] =	ssyncadd.s32 $0xFFFFF000;
	(pc) =	sbr.rel @p0 .LBB2_1-.Ltmp8, $4  }
0x29e: {  	[hbm4b:s19+s24] =	stream.strided.scatter [tilespmem:s23], [sflag:$0x4], $0x1000, s25, s24, $0x38;
	[tilespmem:$0x1E280] =	vst v63  }
0x29f: {  	_ =	swait.ge [sflag:s21], $0x1000  }
0x2a0: {  	[sflag:s21] =	ssyncset.done $0x0  }
0x2a1: {  	s30 =	simm.s32 $0x2000;
	[sflag:s21] =	ssyncadd.s32 $0xFFFFF000  }
0x2a2: {  	_ =	sfence.sel $0x180000  }
0x2a3: {  	[bflag:$0x0] =	sbarrier.arrive $0xFFFF  }
0x2a4: {  	_ =	strace $0x90000047  }
0x2a5: {  	s0 =	stileid.u32;
	[bflag:$0x2] =	sbarrier.arrive $0xFFFF  }
0x2a6: {  	p0 =	sne.s32 s0, $0x0;
	s0 =	rddreg [dreg:$0x1]  }
0x2a7: {  	s0 =	sadd.s32 @!p0 $0x100000, s0  }
0x2a8: {  	[sflag:s0] =	ssyncadd.tile.s32 @!p0 $0x1;
	_ =	shalt  }
.Lfunc_end2:
_tile_overlayer_lowered:
.L_overlay_start_2:
0x2a9: {  	(tag) =	ssettag $0x2  }
0x2aa: {  	s0 =	rddreg [dreg:$0x0];
	s2 =	stileid.u32  }
0x2ab: {  	s1 =	rddreg [dreg:$0x1];
	p0 =	sne.s32 s2, $0x0  }
0x2ac: {  	s3 =	rddreg [dreg:$0x2];
	[bflag:$0x3] =	sbarrier.arrive $0xFFFF;
	s2 =	simm.s32 @!p0 $0x1C04  }
0x2ad: {  	[timem:s3], [sflag:s2] =	dma.local @!p0 [hbm:s0], s1  }
0x2ae: {  	s0 =	simm.s32 @!p0 $0x4  }
0x2af: {  	_ =	swait.ge @!p0 [sflag:s0], s1  }
0x2b0: {  	s1 =	ssub.s32 @!p0 $0x0, s1;
	[sflag:s0] =	ssyncset.done @!p0 $0x0  }
0x2b1: {  	[sflag:s0] =	ssyncadd.s32 @!p0 s1  }
0x2b2: {  	[bflag:$0x3] =	sbarrier.arrive $0xFFFF  }
0x2b3: {  	_ =	shalt  }

</sc_bundles>
